<compile_context>
chip_gen: v7x
topology: tpu7x:2x2x1
jax: 0.10.2.dev20260603
libtpu: 0.0.44.dev20260713+nightly
codegen_flags: <defaults>
</compile_context>

<pallas_src>
import functools

import jax
import jax.numpy as jnp
from jax import lax
from jax.experimental import pallas as pl
from jax.experimental.pallas import tpu as pltpu
from jax.experimental.pallas import tpu_sc as plsc

N = 10000
E = 320000
D = 128

NC = 2
NS = 16
NW = NC * NS
EPW = E // NW
CH = 128
NCHUNK = 80
EPW_PAD = NCHUNK * CH
E_PAD = NW * EPW_PAD
N_SINK = 256
N_ACC = N + N_SINK
RPS = 624
RPS_LAST = N - 15 * RPS


def _sc_aggregate(x, src_r, dst_r, zeros_nd):

    @functools.partial(
        pl.kernel,
        out_type=jax.ShapeDtypeStruct((NC, N, D), jnp.float32),
        mesh=plsc.VectorSubcoreMesh(core_axis_name="c", subcore_axis_name="s"),
        scratch_types=[
            pltpu.VMEM((NCHUNK, CH), jnp.int32),
            pltpu.VMEM((1, CH), jnp.int32),
            pltpu.VMEM((1, CH), jnp.int32),
            pltpu.VMEM((CH, D), jnp.float32),
            pltpu.VMEM((CH, D), jnp.float32),
            pltpu.VMEM_SHARED((N_ACC, D), jnp.float32),
            pltpu.SemaphoreType.DMA,
            pltpu.SemaphoreType.DMA,
            pltpu.SemaphoreType.DMA,
            pltpu.SemaphoreType.DMA,
        ],
    )
    def agg(x_hbm, s_hbm, d_hbm, z_hbm, out_hbm, src_v, dst_a, dst_b,
            rows_a, rows_b, acc_sh, sem_g0, sem_g1, sem_i0, sem_i1):
        c = lax.axis_index("c")
        s = lax.axis_index("s")
        wid = s * NC + c
        r0 = s * RPS

        pltpu.sync_copy(s_hbm.at[wid], src_v)
        pltpu.async_copy(d_hbm.at[wid, 0], dst_a, sem_i0)
        pltpu.async_copy(d_hbm.at[wid, 1], dst_b, sem_i1)
        pltpu.async_copy(x_hbm.at[src_v.at[0]], rows_a, sem_g0)
        pltpu.async_copy(x_hbm.at[src_v.at[1]], rows_b, sem_g1)

        @pl.when((s < NS - 1) & (c == 0))
        def _():
            pltpu.sync_copy(x_hbm.at[pl.ds(r0, RPS)], acc_sh.at[pl.ds(r0, RPS)])

        @pl.when((s == NS - 1) & (c == 0))
        def _():
            pltpu.sync_copy(x_hbm.at[pl.ds(15 * RPS, RPS_LAST)],
                            acc_sh.at[pl.ds(15 * RPS, RPS_LAST)])

        @pl.when((s < NS - 1) & (c == 1))
        def _():
            pltpu.sync_copy(z_hbm.at[pl.ds(r0, RPS)], acc_sh.at[pl.ds(r0, RPS)])

        @pl.when((s == NS - 1) & (c == 1))
        def _():
            pltpu.sync_copy(z_hbm.at[pl.ds(15 * RPS, RPS_LAST)],
                            acc_sh.at[pl.ds(15 * RPS, RPS_LAST)])

        plsc.subcore_barrier()

        def body(k, carry):
            i = 2 * k
            pltpu.make_async_copy(d_hbm.at[wid, i], dst_a, sem_i0).wait()
            pltpu.make_async_copy(x_hbm.at[src_v.at[i]], rows_a, sem_g0).wait()
            pltpu.sync_copy(rows_a, acc_sh.at[dst_a.at[0]], add=True)

            @pl.when(i + 2 < NCHUNK)
            def _():
                pltpu.async_copy(d_hbm.at[wid, i + 2], dst_a, sem_i0)
                pltpu.async_copy(x_hbm.at[src_v.at[i + 2]], rows_a, sem_g0)

            pltpu.make_async_copy(d_hbm.at[wid, i + 1], dst_b, sem_i1).wait()
            pltpu.make_async_copy(x_hbm.at[src_v.at[i + 1]], rows_b,
                                  sem_g1).wait()
            pltpu.sync_copy(rows_b, acc_sh.at[dst_b.at[0]], add=True)

            @pl.when(i + 3 < NCHUNK)
            def _():
                pltpu.async_copy(d_hbm.at[wid, i + 3], dst_b, sem_i1)
                pltpu.async_copy(x_hbm.at[src_v.at[i + 3]], rows_b, sem_g1)

            return carry

        lax.fori_loop(0, NCHUNK // 2, body, 0, unroll=False)
        plsc.subcore_barrier()

        @pl.when(s < NS - 1)
        def _():
            pltpu.sync_copy(acc_sh.at[pl.ds(r0, RPS)],
                            out_hbm.at[c, pl.ds(r0, RPS)])

        @pl.when(s == NS - 1)
        def _():
            pltpu.sync_copy(acc_sh.at[pl.ds(15 * RPS, RPS_LAST)],
                            out_hbm.at[c, pl.ds(15 * RPS, RPS_LAST)])

    return agg(x, src_r, dst_r, zeros_nd)


_BN = 5000


def _tc_layer_body(a_ref, w1_ref, b1_ref, w2_ref, b2_ref, o_ref):
    h = a_ref[0] + a_ref[1]
    h = jnp.maximum(jnp.dot(h, w1_ref[...], preferred_element_type=jnp.float32)
                    + b1_ref[...], 0.0)
    h = jnp.maximum(jnp.dot(h, w2_ref[...], preferred_element_type=jnp.float32)
                    + b2_ref[...], 0.0)
    o_ref[...] = h


def _tc_final_body(a_ref, w1_ref, b1_ref, w2_ref, b2_ref,
                   l1w_ref, l1b_ref, l2w_ref, l2b_ref, o_ref):
    h = a_ref[0] + a_ref[1]
    h = jnp.maximum(jnp.dot(h, w1_ref[...], preferred_element_type=jnp.float32)
                    + b1_ref[...], 0.0)
    h = jnp.maximum(jnp.dot(h, w2_ref[...], preferred_element_type=jnp.float32)
                    + b2_ref[...], 0.0)
    h = jnp.maximum(jnp.dot(h, l1w_ref[...], preferred_element_type=jnp.float32)
                    + l1b_ref[...], 0.0)
    o_ref[...] = (jnp.dot(h, l2w_ref[...], preferred_element_type=jnp.float32)
                  + l2b_ref[...])


def _row_spec():
    return pl.BlockSpec((_BN, D), lambda i: (i, 0))


def _agg_spec():
    return pl.BlockSpec((NC, _BN, D), lambda i: (0, i, 0))


def _w_spec():
    return pl.BlockSpec((D, D), lambda i: (0, 0))


def _b_spec():
    return pl.BlockSpec((1, D), lambda i: (0, 0))


def _tc_layer(agg, w1, b1, w2, b2):
    return pl.pallas_call(
        _tc_layer_body,
        grid=(N // _BN,),
        in_specs=[_agg_spec(), _w_spec(), _b_spec(), _w_spec(), _b_spec()],
        out_specs=_row_spec(),
        out_shape=jax.ShapeDtypeStruct((N, D), jnp.float32),
    )(agg, w1, b1.reshape(1, D), w2, b2.reshape(1, D))


def _tc_final(agg, w1, b1, w2, b2, l1w, l1b, l2w, l2b):
    return pl.pallas_call(
        _tc_final_body,
        grid=(N // _BN,),
        in_specs=[_agg_spec(), _w_spec(), _b_spec(), _w_spec(), _b_spec(),
                  _w_spec(), _b_spec(), _w_spec(), _b_spec()],
        out_specs=_row_spec(),
        out_shape=jax.ShapeDtypeStruct((N, D), jnp.float32),
    )(agg, w1, b1.reshape(1, D), w2, b2.reshape(1, D),
      l1w, l1b.reshape(1, D), l2w, l2b.reshape(1, D))


def kernel(x, edge_index, c1w1, c1b1, c1w2, c1b2, c2w1, c2b1, c2w2, c2b2,
           c3w1, c3b1, c3w2, c3b2, l1w, l1b, l2w, l2b):
    ppw = EPW_PAD - EPW
    dummy_src = (jnp.arange(ppw, dtype=jnp.int32) * 41) % N
    src_r = jnp.concatenate(
        [edge_index[0].reshape(NW, EPW),
         jnp.broadcast_to(dummy_src[None, :], (NW, ppw))],
        axis=1).reshape(NW, NCHUNK, CH)
    sink = (N + jnp.arange(ppw, dtype=jnp.int32) % N_SINK)[None, :]
    dst_r = jnp.concatenate(
        [edge_index[1].reshape(NW, EPW),
         jnp.broadcast_to(sink, (NW, ppw))], axis=1).reshape(NW, NCHUNK, 1, CH)
    z = jnp.zeros((N, D), jnp.float32)
    a = _sc_aggregate(x, src_r, dst_r, z)
    h = _tc_layer(a, c1w1, c1b1, c1w2, c1b2)
    a = _sc_aggregate(h, src_r, dst_r, z)
    h = _tc_layer(a, c2w1, c2b1, c2w2, c2b2)
    a = _sc_aggregate(h, src_r, dst_r, z)
    return _tc_final(a, c3w1, c3b1, c3w2, c3b2, l1w, l1b, l2w, l2b)

# --- scband reference (transcript-rebuilt; emitter-appended) ---
"""Pipeline reference for scband-gin-86629490360414 (READ-ONLY COPY).

The authoritative reference and input builder live on the scoring server;
editing this copy changes nothing except your own understanding.
"""

import jax, jax.numpy as jnp
import numpy as np

N = 10000
E = 320000
D = 128


def _param(key, shape, scale=0.05):
    return jax.random.normal(key, shape, dtype=jnp.float32) * scale


def setup_inputs(seed: int = 0) -> dict:
    key = jax.random.key(seed)
    ks = jax.random.split(key, 20)
    inp = {}
    inp["x"] = jax.random.normal(ks[0], (N, D), dtype=jnp.float32)
    inp["edge_index"] = jax.random.randint(ks[1], (2, E), 0, N, dtype=jnp.int32)
    # GINConv MLP params: Linear(D,D) -> ReLU -> Linear(D,D) -> ReLU, x3 convs
    inp["c1w1"] = _param(ks[2], (D, D)); inp["c1b1"] = jnp.zeros((D,), jnp.float32)
    inp["c1w2"] = _param(ks[3], (D, D)); inp["c1b2"] = jnp.zeros((D,), jnp.float32)
    inp["c2w1"] = _param(ks[4], (D, D)); inp["c2b1"] = jnp.zeros((D,), jnp.float32)
    inp["c2w2"] = _param(ks[5], (D, D)); inp["c2b2"] = jnp.zeros((D,), jnp.float32)
    inp["c3w1"] = _param(ks[6], (D, D)); inp["c3b1"] = jnp.zeros((D,), jnp.float32)
    inp["c3w2"] = _param(ks[7], (D, D)); inp["c3b2"] = jnp.zeros((D,), jnp.float32)
    inp["l1w"] = _param(ks[8], (D, D)); inp["l1b"] = jnp.zeros((D,), jnp.float32)
    inp["l2w"] = _param(ks[9], (D, D)); inp["l2b"] = jnp.zeros((D,), jnp.float32)
    return inp


def _mlp(h, w1, b1, w2, b2):
    h = jax.nn.relu(h @ w1 + b1)
    h = jax.nn.relu(h @ w2 + b2)
    return h


def _gin_conv(x, edge_index, w1, b1, w2, b2):
    # GINConv (eps=0): MLP((1+eps)*x + sum_{j in N(i)} x_j)
    src = edge_index[0]
    dst = edge_index[1]
    msgs = jnp.take(x, src, axis=0)
    agg = jax.ops.segment_sum(msgs, dst, num_segments=x.shape[0])
    return _mlp(x + agg, w1, b1, w2, b2)


def reference(x, edge_index, c1w1, c1b1, c1w2, c1b2, c2w1, c2b1, c2w2, c2b2, c3w1, c3b1, c3w2, c3b2, l1w, l1b, l2w, l2b):
    h = _gin_conv(x, edge_index, c1w1, c1b1, c1w2, c1b2)
    h = jax.nn.relu(h)
    h = _gin_conv(h, edge_index, c2w1, c2b1, c2w2, c2b2)
    h = jax.nn.relu(h)
    h = _gin_conv(h, edge_index, c3w1, c3b1, c3w2, c3b2)
    h = jax.nn.relu(h @ l1w + l1b)
    h = h @ l2w + l2b
    return h

if __name__ == "__main__":
    import jax
    _d = setup_inputs()
    print(jax.jit(kernel)(*tuple(_d.values())))

</pallas_src>

<mosaic_0001>
#map = affine_map<(d0, d1) -> (0, 0)>
#map1 = affine_map<(d0, d1) -> (0, 0, 0)>
#map2 = affine_map<(d0, d1) -> (0, 0, 0, 0)>
module attributes {stable_mosaic.version = 14 : i64} {
  func.func @agg(%arg0: i32, %arg1: i32, %arg2: memref<10000x128xf32, #tpu.memory_space<hbm>>, %arg3: memref<32x80x128xi32, #tpu.memory_space<hbm>>, %arg4: memref<32x80x1x128xi32, #tpu.memory_space<hbm>>, %arg5: memref<10000x128xf32, #tpu.memory_space<hbm>>, %arg6: memref<2x10000x128xf32, #tpu.memory_space<hbm>>, %arg7: memref<80x128xi32, #tpu.memory_space<vmem>>, %arg8: memref<1x128xi32, #tpu.memory_space<vmem>>, %arg9: memref<1x128xi32, #tpu.memory_space<vmem>>, %arg10: memref<128x128xf32, #tpu.memory_space<vmem>>, %arg11: memref<128x128xf32, #tpu.memory_space<vmem>>, %arg12: memref<10256x128xf32, #tpu.memory_space<vmem_shared>>, %arg13: memref<!tpu.dma_semaphore, #tpu.memory_space<semaphore_mem>>, %arg14: memref<!tpu.dma_semaphore, #tpu.memory_space<semaphore_mem>>, %arg15: memref<!tpu.dma_semaphore, #tpu.memory_space<semaphore_mem>>, %arg16: memref<!tpu.dma_semaphore, #tpu.memory_space<semaphore_mem>>) attributes {dimension_semantics = [#tpu.dimension_semantics<core_parallel>, #tpu.dimension_semantics<subcore_parallel>], iteration_bounds = array<i64: 2, 16>, scalar_prefetch = 0 : i64, scratch_operands = 10 : i64, tpu.core_type = #tpu.core_type<sc_vector_subcore>, window_params = [{transform_indices = #map}, {transform_indices = #map1}, {transform_indices = #map2}, {transform_indices = #map}, {transform_indices = #map1}]} {
    %mul3A = arith.constant 2 : i32
    %mul3A_0 = arith.muli %arg1, %mul3A : i32
    %add3A = arith.addi %mul3A_0, %arg0 : i32
    %mul3A_1 = arith.constant 624 : i32
    %mul3A_2 = arith.muli %arg1, %mul3A_1 : i32
    "tpu.region"() ({
      %run_scoped3A = tpu.sem_alloc : memref<!tpu.dma_semaphore, #tpu.memory_space<semaphore_mem>>
      %dma_start3A_77 = arith.constant 0 : i32
      %dma_start3A_78 = arith.constant 0 : i32
      %dma_start3A_79 = tpu.memref_slice %arg3[%add3A, %dma_start3A_77, %dma_start3A_78] : memref<32x80x128xi32, #tpu.memory_space<hbm>> -> memref<1x80x128xi32, #tpu.memory_space<hbm>>
      %dma_start3A_80 = tpu.memref_squeeze %dma_start3A_79 : memref<1x80x128xi32, #tpu.memory_space<hbm>> -> memref<80x128xi32, #tpu.memory_space<hbm>>
      %dma_start3A_81 = arith.constant 0 : i32
      %dma_start3A_82 = arith.constant 0 : i32
      %dma_start3A_83 = tpu.memref_slice %arg3[%add3A, %dma_start3A_81, %dma_start3A_82] : memref<32x80x128xi32, #tpu.memory_space<hbm>> -> memref<1x80x128xi32, #tpu.memory_space<hbm>>
      %dma_start3A_84 = tpu.memref_squeeze %dma_start3A_83 : memref<1x80x128xi32, #tpu.memory_space<hbm>> -> memref<80x128xi32, #tpu.memory_space<hbm>>
      tpu.enqueue_dma source(%dma_start3A_84 : memref<80x128xi32, #tpu.memory_space<hbm>>) target(%arg7 : memref<80x128xi32, #tpu.memory_space<vmem>>) target_semaphore(%run_scoped3A : memref<!tpu.dma_semaphore, #tpu.memory_space<semaphore_mem>>)
      %dma_wait3A = arith.constant 0 : i32
      %dma_wait3A_85 = arith.constant 0 : i32
      %dma_wait3A_86 = tpu.memref_slice %arg3[%add3A, %dma_wait3A, %dma_wait3A_85] : memref<32x80x128xi32, #tpu.memory_space<hbm>> -> memref<1x80x128xi32, #tpu.memory_space<hbm>>
      %dma_wait3A_87 = tpu.memref_squeeze %dma_wait3A_86 : memref<1x80x128xi32, #tpu.memory_space<hbm>> -> memref<80x128xi32, #tpu.memory_space<hbm>>
      %dma_wait3A_88 = arith.constant 0 : i32
      %dma_wait3A_89 = arith.constant 0 : i32
      %dma_wait3A_90 = tpu.memref_slice %arg3[%add3A, %dma_wait3A_88, %dma_wait3A_89] : memref<32x80x128xi32, #tpu.memory_space<hbm>> -> memref<1x80x128xi32, #tpu.memory_space<hbm>>
      %dma_wait3A_91 = tpu.memref_squeeze %dma_wait3A_90 : memref<1x80x128xi32, #tpu.memory_space<hbm>> -> memref<80x128xi32, #tpu.memory_space<hbm>>
      tpu.wait_dma2 semaphore(%run_scoped3A : memref<!tpu.dma_semaphore, #tpu.memory_space<semaphore_mem>>) src(%dma_wait3A_91 : memref<80x128xi32, #tpu.memory_space<hbm>>) dst(%arg7 : memref<80x128xi32, #tpu.memory_space<vmem>>)
      tpu.yield
    }) : () -> ()
    %dma_start3A = arith.constant 0 : i32
    %dma_start3A_3 = arith.constant 0 : i32
    %dma_start3A_4 = arith.constant 0 : i32
    %dma_start3A_5 = tpu.memref_slice %arg4[%add3A, %dma_start3A, %dma_start3A_3, %dma_start3A_4] : memref<32x80x1x128xi32, #tpu.memory_space<hbm>> -> memref<1x1x1x128xi32, #tpu.memory_space<hbm>>
    %dma_start3A_6 = tpu.memref_squeeze %dma_start3A_5 : memref<1x1x1x128xi32, #tpu.memory_space<hbm>> -> memref<1x128xi32, #tpu.memory_space<hbm>>
    %dma_start3A_7 = arith.constant 0 : i32
    %dma_start3A_8 = arith.constant 0 : i32
    %dma_start3A_9 = tpu.memref_slice %arg4[%add3A, %dma_start3A, %dma_start3A_7, %dma_start3A_8] : memref<32x80x1x128xi32, #tpu.memory_space<hbm>> -> memref<1x1x1x128xi32, #tpu.memory_space<hbm>>
    %dma_start3A_10 = tpu.memref_squeeze %dma_start3A_9 : memref<1x1x1x128xi32, #tpu.memory_space<hbm>> -> memref<1x128xi32, #tpu.memory_space<hbm>>
    tpu.enqueue_dma source(%dma_start3A_10 : memref<1x128xi32, #tpu.memory_space<hbm>>) target(%arg8 : memref<1x128xi32, #tpu.memory_space<vmem>>) target_semaphore(%arg15 : memref<!tpu.dma_semaphore, #tpu.memory_space<semaphore_mem>>)
    %dma_start3A_11 = arith.constant 1 : i32
    %dma_start3A_12 = arith.constant 0 : i32
    %dma_start3A_13 = arith.constant 0 : i32
    %dma_start3A_14 = tpu.memref_slice %arg4[%add3A, %dma_start3A_11, %dma_start3A_12, %dma_start3A_13] : memref<32x80x1x128xi32, #tpu.memory_space<hbm>> -> memref<1x1x1x128xi32, #tpu.memory_space<hbm>>
    %dma_start3A_15 = tpu.memref_squeeze %dma_start3A_14 : memref<1x1x1x128xi32, #tpu.memory_space<hbm>> -> memref<1x128xi32, #tpu.memory_space<hbm>>
    %dma_start3A_16 = arith.constant 0 : i32
    %dma_start3A_17 = arith.constant 0 : i32
    %dma_start3A_18 = tpu.memref_slice %arg4[%add3A, %dma_start3A_11, %dma_start3A_16, %dma_start3A_17] : memref<32x80x1x128xi32, #tpu.memory_space<hbm>> -> memref<1x1x1x128xi32, #tpu.memory_space<hbm>>
    %dma_start3A_19 = tpu.memref_squeeze %dma_start3A_18 : memref<1x1x1x128xi32, #tpu.memory_space<hbm>> -> memref<1x128xi32, #tpu.memory_space<hbm>>
    tpu.enqueue_dma source(%dma_start3A_19 : memref<1x128xi32, #tpu.memory_space<hbm>>) target(%arg9 : memref<1x128xi32, #tpu.memory_space<vmem>>) target_semaphore(%arg16 : memref<!tpu.dma_semaphore, #tpu.memory_space<semaphore_mem>>)
    %dma_start3A_20 = arith.constant 0 : i32
    %dma_start3A_21 = arith.constant 0 : i32
    %dma_start3A_22 = tpu.memref_slice %arg7[%dma_start3A_20, %dma_start3A_21] : memref<80x128xi32, #tpu.memory_space<vmem>> -> memref<1x128xi32, #tpu.memory_space<vmem>>
    %dma_start3A_23 = tpu.memref_squeeze %dma_start3A_22 : memref<1x128xi32, #tpu.memory_space<vmem>> -> memref<128xi32, #tpu.memory_space<vmem>>
    %dma_start3A_24 = arith.constant 0 : i32
    %dma_start3A_25 = arith.constant 0 : i32
    %dma_start3A_26 = tpu.memref_slice %arg2[%dma_start3A_24, %dma_start3A_25] : memref<10000x128xf32, #tpu.memory_space<hbm>> -> memref<10000x128xf32, #tpu.memory_space<hbm>>
    tpu.enqueue_indirect_dma source(%dma_start3A_26 : memref<10000x128xf32, #tpu.memory_space<hbm>>) target(%arg10 : memref<128x128xf32, #tpu.memory_space<vmem>>) offsets(%dma_start3A_23 : memref<128xi32, #tpu.memory_space<vmem>>) semaphore(%arg13 : memref<!tpu.dma_semaphore, #tpu.memory_space<semaphore_mem>>)
    %dma_start3A_27 = arith.constant 1 : i32
    %dma_start3A_28 = arith.constant 0 : i32
    %dma_start3A_29 = tpu.memref_slice %arg7[%dma_start3A_27, %dma_start3A_28] : memref<80x128xi32, #tpu.memory_space<vmem>> -> memref<1x128xi32, #tpu.memory_space<vmem>>
    %dma_start3A_30 = tpu.memref_squeeze %dma_start3A_29 : memref<1x128xi32, #tpu.memory_space<vmem>> -> memref<128xi32, #tpu.memory_space<vmem>>
    %dma_start3A_31 = arith.constant 0 : i32
    %dma_start3A_32 = arith.constant 0 : i32
    %dma_start3A_33 = tpu.memref_slice %arg2[%dma_start3A_31, %dma_start3A_32] : memref<10000x128xf32, #tpu.memory_space<hbm>> -> memref<10000x128xf32, #tpu.memory_space<hbm>>
    tpu.enqueue_indirect_dma source(%dma_start3A_33 : memref<10000x128xf32, #tpu.memory_space<hbm>>) target(%arg11 : memref<128x128xf32, #tpu.memory_space<vmem>>) offsets(%dma_start3A_30 : memref<128xi32, #tpu.memory_space<vmem>>) semaphore(%arg14 : memref<!tpu.dma_semaphore, #tpu.memory_space<semaphore_mem>>)
    %lt3A = arith.constant 15 : i32
    %lt3A_34 = arith.cmpi slt, %arg1, %lt3A : i32
    %eq3A = arith.constant 0 : i32
    %eq3A_35 = arith.cmpi eq, %arg0, %eq3A : i32
    %and3A = arith.andi %lt3A_34, %eq3A_35 : i1
    %convert_element_type3A = arith.extui %and3A : i1 to i32
    %cond3A = arith.constant 0 : i32
    %cond3A_36 = arith.cmpi ne, %convert_element_type3A, %cond3A : i32
    scf.if %cond3A_36 {
      "tpu.region"() ({
        %run_scoped3A = tpu.sem_alloc : memref<!tpu.dma_semaphore, #tpu.memory_space<semaphore_mem>>
        %dma_start3A_77 = arith.constant 0 : i32
        %dma_start3A_78 = tpu.memref_slice %arg12[%mul3A_2, %dma_start3A_77] : memref<10256x128xf32, #tpu.memory_space<vmem_shared>> -> memref<624x128xf32, #tpu.memory_space<vmem_shared>>
        %dma_start3A_79 = arith.constant 0 : i32
        %dma_start3A_80 = tpu.memref_slice %arg2[%mul3A_2, %dma_start3A_79] : memref<10000x128xf32, #tpu.memory_space<hbm>> -> memref<624x128xf32, #tpu.memory_space<hbm>>
        tpu.enqueue_dma source(%dma_start3A_80 : memref<624x128xf32, #tpu.memory_space<hbm>>) target(%dma_start3A_78 : memref<624x128xf32, #tpu.memory_space<vmem_shared>>) target_semaphore(%run_scoped3A : memref<!tpu.dma_semaphore, #tpu.memory_space<semaphore_mem>>)
        %dma_wait3A = arith.constant 0 : i32
        %dma_wait3A_81 = tpu.memref_slice %arg12[%mul3A_2, %dma_wait3A] : memref<10256x128xf32, #tpu.memory_space<vmem_shared>> -> memref<624x128xf32, #tpu.memory_space<vmem_shared>>
        %dma_wait3A_82 = arith.constant 0 : i32
        %dma_wait3A_83 = tpu.memref_slice %arg2[%mul3A_2, %dma_wait3A_82] : memref<10000x128xf32, #tpu.memory_space<hbm>> -> memref<624x128xf32, #tpu.memory_space<hbm>>
        tpu.wait_dma2 semaphore(%run_scoped3A : memref<!tpu.dma_semaphore, #tpu.memory_space<semaphore_mem>>) src(%dma_wait3A_83 : memref<624x128xf32, #tpu.memory_space<hbm>>) dst(%dma_wait3A_81 : memref<624x128xf32, #tpu.memory_space<vmem_shared>>)
        tpu.yield
      }) : () -> ()
    } else {
    }
    %eq3A_37 = arith.constant 15 : i32
    %eq3A_38 = arith.cmpi eq, %arg1, %eq3A_37 : i32
    %eq3A_39 = arith.constant 0 : i32
    %eq3A_40 = arith.cmpi eq, %arg0, %eq3A_39 : i32
    %and3A_41 = arith.andi %eq3A_38, %eq3A_40 : i1
    %convert_element_type3A_42 = arith.extui %and3A_41 : i1 to i32
    %cond3A_43 = arith.constant 0 : i32
    %cond3A_44 = arith.cmpi ne, %convert_element_type3A_42, %cond3A_43 : i32
    scf.if %cond3A_44 {
      "tpu.region"() ({
        %run_scoped3A = tpu.sem_alloc : memref<!tpu.dma_semaphore, #tpu.memory_space<semaphore_mem>>
        %dma_start3A_77 = arith.constant 9360 : i32
        %dma_start3A_78 = arith.constant 0 : i32
        %dma_start3A_79 = tpu.memref_slice %arg12[%dma_start3A_77, %dma_start3A_78] : memref<10256x128xf32, #tpu.memory_space<vmem_shared>> -> memref<640x128xf32, #tpu.memory_space<vmem_shared>>
        %dma_start3A_80 = arith.constant 9360 : i32
        %dma_start3A_81 = arith.constant 0 : i32
        %dma_start3A_82 = tpu.memref_slice %arg2[%dma_start3A_80, %dma_start3A_81] : memref<10000x128xf32, #tpu.memory_space<hbm>> -> memref<640x128xf32, #tpu.memory_space<hbm>>
        tpu.enqueue_dma source(%dma_start3A_82 : memref<640x128xf32, #tpu.memory_space<hbm>>) target(%dma_start3A_79 : memref<640x128xf32, #tpu.memory_space<vmem_shared>>) target_semaphore(%run_scoped3A : memref<!tpu.dma_semaphore, #tpu.memory_space<semaphore_mem>>)
        %dma_wait3A = arith.constant 9360 : i32
        %dma_wait3A_83 = arith.constant 0 : i32
        %dma_wait3A_84 = tpu.memref_slice %arg12[%dma_wait3A, %dma_wait3A_83] : memref<10256x128xf32, #tpu.memory_space<vmem_shared>> -> memref<640x128xf32, #tpu.memory_space<vmem_shared>>
        %dma_wait3A_85 = arith.constant 9360 : i32
        %dma_wait3A_86 = arith.constant 0 : i32
        %dma_wait3A_87 = tpu.memref_slice %arg2[%dma_wait3A_85, %dma_wait3A_86] : memref<10000x128xf32, #tpu.memory_space<hbm>> -> memref<640x128xf32, #tpu.memory_space<hbm>>
        tpu.wait_dma2 semaphore(%run_scoped3A : memref<!tpu.dma_semaphore, #tpu.memory_space<semaphore_mem>>) src(%dma_wait3A_87 : memref<640x128xf32, #tpu.memory_space<hbm>>) dst(%dma_wait3A_84 : memref<640x128xf32, #tpu.memory_space<vmem_shared>>)
        tpu.yield
      }) : () -> ()
    } else {
    }
    %lt3A_45 = arith.constant 15 : i32
    %lt3A_46 = arith.cmpi slt, %arg1, %lt3A_45 : i32
    %eq3A_47 = arith.constant 1 : i32
    %eq3A_48 = arith.cmpi eq, %arg0, %eq3A_47 : i32
    %and3A_49 = arith.andi %lt3A_46, %eq3A_48 : i1
    %convert_element_type3A_50 = arith.extui %and3A_49 : i1 to i32
    %cond3A_51 = arith.constant 0 : i32
    %cond3A_52 = arith.cmpi ne, %convert_element_type3A_50, %cond3A_51 : i32
    scf.if %cond3A_52 {
      "tpu.region"() ({
        %run_scoped3A = tpu.sem_alloc : memref<!tpu.dma_semaphore, #tpu.memory_space<semaphore_mem>>
        %dma_start3A_77 = arith.constant 0 : i32
        %dma_start3A_78 = tpu.memref_slice %arg12[%mul3A_2, %dma_start3A_77] : memref<10256x128xf32, #tpu.memory_space<vmem_shared>> -> memref<624x128xf32, #tpu.memory_space<vmem_shared>>
        %dma_start3A_79 = arith.constant 0 : i32
        %dma_start3A_80 = tpu.memref_slice %arg5[%mul3A_2, %dma_start3A_79] : memref<10000x128xf32, #tpu.memory_space<hbm>> -> memref<624x128xf32, #tpu.memory_space<hbm>>
        tpu.enqueue_dma source(%dma_start3A_80 : memref<624x128xf32, #tpu.memory_space<hbm>>) target(%dma_start3A_78 : memref<624x128xf32, #tpu.memory_space<vmem_shared>>) target_semaphore(%run_scoped3A : memref<!tpu.dma_semaphore, #tpu.memory_space<semaphore_mem>>)
        %dma_wait3A = arith.constant 0 : i32
        %dma_wait3A_81 = tpu.memref_slice %arg12[%mul3A_2, %dma_wait3A] : memref<10256x128xf32, #tpu.memory_space<vmem_shared>> -> memref<624x128xf32, #tpu.memory_space<vmem_shared>>
        %dma_wait3A_82 = arith.constant 0 : i32
        %dma_wait3A_83 = tpu.memref_slice %arg5[%mul3A_2, %dma_wait3A_82] : memref<10000x128xf32, #tpu.memory_space<hbm>> -> memref<624x128xf32, #tpu.memory_space<hbm>>
        tpu.wait_dma2 semaphore(%run_scoped3A : memref<!tpu.dma_semaphore, #tpu.memory_space<semaphore_mem>>) src(%dma_wait3A_83 : memref<624x128xf32, #tpu.memory_space<hbm>>) dst(%dma_wait3A_81 : memref<624x128xf32, #tpu.memory_space<vmem_shared>>)
        tpu.yield
      }) : () -> ()
    } else {
    }
    %eq3A_53 = arith.constant 15 : i32
    %eq3A_54 = arith.cmpi eq, %arg1, %eq3A_53 : i32
    %eq3A_55 = arith.constant 1 : i32
    %eq3A_56 = arith.cmpi eq, %arg0, %eq3A_55 : i32
    %and3A_57 = arith.andi %eq3A_54, %eq3A_56 : i1
    %convert_element_type3A_58 = arith.extui %and3A_57 : i1 to i32
    %cond3A_59 = arith.constant 0 : i32
    %cond3A_60 = arith.cmpi ne, %convert_element_type3A_58, %cond3A_59 : i32
    scf.if %cond3A_60 {
      "tpu.region"() ({
        %run_scoped3A = tpu.sem_alloc : memref<!tpu.dma_semaphore, #tpu.memory_space<semaphore_mem>>
        %dma_start3A_77 = arith.constant 9360 : i32
        %dma_start3A_78 = arith.constant 0 : i32
        %dma_start3A_79 = tpu.memref_slice %arg12[%dma_start3A_77, %dma_start3A_78] : memref<10256x128xf32, #tpu.memory_space<vmem_shared>> -> memref<640x128xf32, #tpu.memory_space<vmem_shared>>
        %dma_start3A_80 = arith.constant 9360 : i32
        %dma_start3A_81 = arith.constant 0 : i32
        %dma_start3A_82 = tpu.memref_slice %arg5[%dma_start3A_80, %dma_start3A_81] : memref<10000x128xf32, #tpu.memory_space<hbm>> -> memref<640x128xf32, #tpu.memory_space<hbm>>
        tpu.enqueue_dma source(%dma_start3A_82 : memref<640x128xf32, #tpu.memory_space<hbm>>) target(%dma_start3A_79 : memref<640x128xf32, #tpu.memory_space<vmem_shared>>) target_semaphore(%run_scoped3A : memref<!tpu.dma_semaphore, #tpu.memory_space<semaphore_mem>>)
        %dma_wait3A = arith.constant 9360 : i32
        %dma_wait3A_83 = arith.constant 0 : i32
        %dma_wait3A_84 = tpu.memref_slice %arg12[%dma_wait3A, %dma_wait3A_83] : memref<10256x128xf32, #tpu.memory_space<vmem_shared>> -> memref<640x128xf32, #tpu.memory_space<vmem_shared>>
        %dma_wait3A_85 = arith.constant 9360 : i32
        %dma_wait3A_86 = arith.constant 0 : i32
        %dma_wait3A_87 = tpu.memref_slice %arg5[%dma_wait3A_85, %dma_wait3A_86] : memref<10000x128xf32, #tpu.memory_space<hbm>> -> memref<640x128xf32, #tpu.memory_space<hbm>>
        tpu.wait_dma2 semaphore(%run_scoped3A : memref<!tpu.dma_semaphore, #tpu.memory_space<semaphore_mem>>) src(%dma_wait3A_87 : memref<640x128xf32, #tpu.memory_space<hbm>>) dst(%dma_wait3A_84 : memref<640x128xf32, #tpu.memory_space<vmem_shared>>)
        tpu.yield
      }) : () -> ()
    } else {
    }
    %barrier3A = arith.constant 0 : index
    tpu.barrier barrier_id(%barrier3A)
    %scan3A = arith.constant 0 : i32
    %scan3A_61 = arith.constant 0 : i32
    %scan3A_62 = arith.constant 40 : i32
    %scan3A_63 = arith.addi %scan3A_61, %scan3A_62 : i32
    %scan3A_64 = arith.constant 1 : i32
    scf.for %scan3A_77 = %scan3A_61 to %scan3A_63 step %scan3A_64  : i32 {
      %mul3A_78 = arith.constant 2 : i32
      %mul3A_79 = arith.muli %mul3A_78, %scan3A_77 : i32
      %dma_wait3A = arith.constant 0 : i32
      %dma_wait3A_80 = arith.constant 0 : i32
      %dma_wait3A_81 = tpu.memref_slice %arg4[%add3A, %mul3A_79, %dma_wait3A, %dma_wait3A_80] : memref<32x80x1x128xi32, #tpu.memory_space<hbm>> -> memref<1x1x1x128xi32, #tpu.memory_space<hbm>>
      %dma_wait3A_82 = tpu.memref_squeeze %dma_wait3A_81 : memref<1x1x1x128xi32, #tpu.memory_space<hbm>> -> memref<1x128xi32, #tpu.memory_space<hbm>>
      %dma_wait3A_83 = arith.constant 0 : i32
      %dma_wait3A_84 = arith.constant 0 : i32
      %dma_wait3A_85 = tpu.memref_slice %arg4[%add3A, %mul3A_79, %dma_wait3A_83, %dma_wait3A_84] : memref<32x80x1x128xi32, #tpu.memory_space<hbm>> -> memref<1x1x1x128xi32, #tpu.memory_space<hbm>>
      %dma_wait3A_86 = tpu.memref_squeeze %dma_wait3A_85 : memref<1x1x1x128xi32, #tpu.memory_space<hbm>> -> memref<1x128xi32, #tpu.memory_space<hbm>>
      tpu.wait_dma2 semaphore(%arg15 : memref<!tpu.dma_semaphore, #tpu.memory_space<semaphore_mem>>) src(%dma_wait3A_86 : memref<1x128xi32, #tpu.memory_space<hbm>>) dst(%arg8 : memref<1x128xi32, #tpu.memory_space<vmem>>)
      %dma_wait3A_87 = arith.constant 0 : i32
      %dma_wait3A_88 = tpu.memref_slice %arg7[%mul3A_79, %dma_wait3A_87] : memref<80x128xi32, #tpu.memory_space<vmem>> -> memref<1x128xi32, #tpu.memory_space<vmem>>
      %dma_wait3A_89 = tpu.memref_squeeze %dma_wait3A_88 : memref<1x128xi32, #tpu.memory_space<vmem>> -> memref<128xi32, #tpu.memory_space<vmem>>
      %dma_wait3A_90 = arith.constant 0 : i32
      %dma_wait3A_91 = arith.constant 0 : i32
      %dma_wait3A_92 = tpu.memref_slice %arg2[%dma_wait3A_90, %dma_wait3A_91] : memref<10000x128xf32, #tpu.memory_space<hbm>> -> memref<10000x128xf32, #tpu.memory_space<hbm>>
      tpu.wait_indirect_dma semaphore(%arg13 : memref<!tpu.dma_semaphore, #tpu.memory_space<semaphore_mem>>) src(%dma_wait3A_92 : memref<10000x128xf32, #tpu.memory_space<hbm>>) dst(%arg10 : memref<128x128xf32, #tpu.memory_space<vmem>>)
      %run_scoped3A = arith.constant 0 : i32
      "tpu.region"() ({
        %run_scoped3A_126 = tpu.sem_alloc : memref<!tpu.dma_semaphore, #tpu.memory_space<semaphore_mem>>
        %dma_start3A_127 = arith.constant 0 : i32
        %dma_start3A_128 = tpu.memref_slice %arg8[%run_scoped3A, %dma_start3A_127] : memref<1x128xi32, #tpu.memory_space<vmem>> -> memref<1x128xi32, #tpu.memory_space<vmem>>
        %dma_start3A_129 = tpu.memref_squeeze %dma_start3A_128 : memref<1x128xi32, #tpu.memory_space<vmem>> -> memref<128xi32, #tpu.memory_space<vmem>>
        %dma_start3A_130 = arith.constant 0 : i32
        %dma_start3A_131 = arith.constant 0 : i32
        %dma_start3A_132 = tpu.memref_slice %arg12[%dma_start3A_130, %dma_start3A_131] : memref<10256x128xf32, #tpu.memory_space<vmem_shared>> -> memref<10256x128xf32, #tpu.memory_space<vmem_shared>>
        tpu.enqueue_indirect_dma source(%arg10 : memref<128x128xf32, #tpu.memory_space<vmem>>) target(%dma_start3A_132 : memref<10256x128xf32, #tpu.memory_space<vmem_shared>>) offsets(%dma_start3A_129 : memref<128xi32, #tpu.memory_space<vmem>>) semaphore(%run_scoped3A_126 : memref<!tpu.dma_semaphore, #tpu.memory_space<semaphore_mem>>) {add = true}
        %dma_wait3A_133 = arith.constant 0 : i32
        %dma_wait3A_134 = tpu.memref_slice %arg8[%run_scoped3A, %dma_wait3A_133] : memref<1x128xi32, #tpu.memory_space<vmem>> -> memref<1x128xi32, #tpu.memory_space<vmem>>
        %dma_wait3A_135 = tpu.memref_squeeze %dma_wait3A_134 : memref<1x128xi32, #tpu.memory_space<vmem>> -> memref<128xi32, #tpu.memory_space<vmem>>
        %dma_wait3A_136 = arith.constant 0 : i32
        %dma_wait3A_137 = arith.constant 0 : i32
        %dma_wait3A_138 = tpu.memref_slice %arg12[%dma_wait3A_136, %dma_wait3A_137] : memref<10256x128xf32, #tpu.memory_space<vmem_shared>> -> memref<10256x128xf32, #tpu.memory_space<vmem_shared>>
        tpu.wait_indirect_dma semaphore(%run_scoped3A_126 : memref<!tpu.dma_semaphore, #tpu.memory_space<semaphore_mem>>) src(%arg10 : memref<128x128xf32, #tpu.memory_space<vmem>>) dst(%dma_wait3A_138 : memref<10256x128xf32, #tpu.memory_space<vmem_shared>>)
        tpu.yield
      }) : () -> ()
      %add3A_93 = arith.constant 2 : i32
      %add3A_94 = arith.addi %mul3A_79, %add3A_93 : i32
      %lt3A_95 = arith.constant 80 : i32
      %lt3A_96 = arith.cmpi slt, %add3A_94, %lt3A_95 : i32
      %convert_element_type3A_97 = arith.extui %lt3A_96 : i1 to i32
      %cond3A_98 = arith.constant 0 : i32
      %cond3A_99 = arith.cmpi ne, %convert_element_type3A_97, %cond3A_98 : i32
      scf.if %cond3A_99 {
        %add3A_126 = arith.constant 2 : i32
        %add3A_127 = arith.addi %mul3A_79, %add3A_126 : i32
        %dma_start3A_128 = arith.constant 0 : i32
        %dma_start3A_129 = arith.constant 0 : i32
        %dma_start3A_130 = tpu.memref_slice %arg4[%add3A, %add3A_127, %dma_start3A_128, %dma_start3A_129] : memref<32x80x1x128xi32, #tpu.memory_space<hbm>> -> memref<1x1x1x128xi32, #tpu.memory_space<hbm>>
        %dma_start3A_131 = tpu.memref_squeeze %dma_start3A_130 : memref<1x1x1x128xi32, #tpu.memory_space<hbm>> -> memref<1x128xi32, #tpu.memory_space<hbm>>
        %dma_start3A_132 = arith.constant 0 : i32
        %dma_start3A_133 = arith.constant 0 : i32
        %dma_start3A_134 = tpu.memref_slice %arg4[%add3A, %add3A_127, %dma_start3A_132, %dma_start3A_133] : memref<32x80x1x128xi32, #tpu.memory_space<hbm>> -> memref<1x1x1x128xi32, #tpu.memory_space<hbm>>
        %dma_start3A_135 = tpu.memref_squeeze %dma_start3A_134 : memref<1x1x1x128xi32, #tpu.memory_space<hbm>> -> memref<1x128xi32, #tpu.memory_space<hbm>>
        tpu.enqueue_dma source(%dma_start3A_135 : memref<1x128xi32, #tpu.memory_space<hbm>>) target(%arg8 : memref<1x128xi32, #tpu.memory_space<vmem>>) target_semaphore(%arg15 : memref<!tpu.dma_semaphore, #tpu.memory_space<semaphore_mem>>)
        %add3A_136 = arith.constant 2 : i32
        %add3A_137 = arith.addi %mul3A_79, %add3A_136 : i32
        %dma_start3A_138 = arith.constant 0 : i32
        %dma_start3A_139 = tpu.memref_slice %arg7[%add3A_137, %dma_start3A_138] : memref<80x128xi32, #tpu.memory_space<vmem>> -> memref<1x128xi32, #tpu.memory_space<vmem>>
        %dma_start3A_140 = tpu.memref_squeeze %dma_start3A_139 : memref<1x128xi32, #tpu.memory_space<vmem>> -> memref<128xi32, #tpu.memory_space<vmem>>
        %dma_start3A_141 = arith.constant 0 : i32
        %dma_start3A_142 = arith.constant 0 : i32
        %dma_start3A_143 = tpu.memref_slice %arg2[%dma_start3A_141, %dma_start3A_142] : memref<10000x128xf32, #tpu.memory_space<hbm>> -> memref<10000x128xf32, #tpu.memory_space<hbm>>
        tpu.enqueue_indirect_dma source(%dma_start3A_143 : memref<10000x128xf32, #tpu.memory_space<hbm>>) target(%arg10 : memref<128x128xf32, #tpu.memory_space<vmem>>) offsets(%dma_start3A_140 : memref<128xi32, #tpu.memory_space<vmem>>) semaphore(%arg13 : memref<!tpu.dma_semaphore, #tpu.memory_space<semaphore_mem>>)
      } else {
      }
      %add3A_100 = arith.constant 1 : i32
      %add3A_101 = arith.addi %mul3A_79, %add3A_100 : i32
      %dma_wait3A_102 = arith.constant 0 : i32
      %dma_wait3A_103 = arith.constant 0 : i32
      %dma_wait3A_104 = tpu.memref_slice %arg4[%add3A, %add3A_101, %dma_wait3A_102, %dma_wait3A_103] : memref<32x80x1x128xi32, #tpu.memory_space<hbm>> -> memref<1x1x1x128xi32, #tpu.memory_space<hbm>>
      %dma_wait3A_105 = tpu.memref_squeeze %dma_wait3A_104 : memref<1x1x1x128xi32, #tpu.memory_space<hbm>> -> memref<1x128xi32, #tpu.memory_space<hbm>>
      %dma_wait3A_106 = arith.constant 0 : i32
      %dma_wait3A_107 = arith.constant 0 : i32
      %dma_wait3A_108 = tpu.memref_slice %arg4[%add3A, %add3A_101, %dma_wait3A_106, %dma_wait3A_107] : memref<32x80x1x128xi32, #tpu.memory_space<hbm>> -> memref<1x1x1x128xi32, #tpu.memory_space<hbm>>
      %dma_wait3A_109 = tpu.memref_squeeze %dma_wait3A_108 : memref<1x1x1x128xi32, #tpu.memory_space<hbm>> -> memref<1x128xi32, #tpu.memory_space<hbm>>
      tpu.wait_dma2 semaphore(%arg16 : memref<!tpu.dma_semaphore, #tpu.memory_space<semaphore_mem>>) src(%dma_wait3A_109 : memref<1x128xi32, #tpu.memory_space<hbm>>) dst(%arg9 : memref<1x128xi32, #tpu.memory_space<vmem>>)
      %add3A_110 = arith.constant 1 : i32
      %add3A_111 = arith.addi %mul3A_79, %add3A_110 : i32
      %dma_wait3A_112 = arith.constant 0 : i32
      %dma_wait3A_113 = tpu.memref_slice %arg7[%add3A_111, %dma_wait3A_112] : memref<80x128xi32, #tpu.memory_space<vmem>> -> memref<1x128xi32, #tpu.memory_space<vmem>>
      %dma_wait3A_114 = tpu.memref_squeeze %dma_wait3A_113 : memref<1x128xi32, #tpu.memory_space<vmem>> -> memref<128xi32, #tpu.memory_space<vmem>>
      %dma_wait3A_115 = arith.constant 0 : i32
      %dma_wait3A_116 = arith.constant 0 : i32
      %dma_wait3A_117 = tpu.memref_slice %arg2[%dma_wait3A_115, %dma_wait3A_116] : memref<10000x128xf32, #tpu.memory_space<hbm>> -> memref<10000x128xf32, #tpu.memory_space<hbm>>
      tpu.wait_indirect_dma semaphore(%arg14 : memref<!tpu.dma_semaphore, #tpu.memory_space<semaphore_mem>>) src(%dma_wait3A_117 : memref<10000x128xf32, #tpu.memory_space<hbm>>) dst(%arg11 : memref<128x128xf32, #tpu.memory_space<vmem>>)
      %run_scoped3A_118 = arith.constant 0 : i32
      "tpu.region"() ({
        %run_scoped3A_126 = tpu.sem_alloc : memref<!tpu.dma_semaphore, #tpu.memory_space<semaphore_mem>>
        %dma_start3A_127 = arith.constant 0 : i32
        %dma_start3A_128 = tpu.memref_slice %arg9[%run_scoped3A_118, %dma_start3A_127] : memref<1x128xi32, #tpu.memory_space<vmem>> -> memref<1x128xi32, #tpu.memory_space<vmem>>
        %dma_start3A_129 = tpu.memref_squeeze %dma_start3A_128 : memref<1x128xi32, #tpu.memory_space<vmem>> -> memref<128xi32, #tpu.memory_space<vmem>>
        %dma_start3A_130 = arith.constant 0 : i32
        %dma_start3A_131 = arith.constant 0 : i32
        %dma_start3A_132 = tpu.memref_slice %arg12[%dma_start3A_130, %dma_start3A_131] : memref<10256x128xf32, #tpu.memory_space<vmem_shared>> -> memref<10256x128xf32, #tpu.memory_space<vmem_shared>>
        tpu.enqueue_indirect_dma source(%arg11 : memref<128x128xf32, #tpu.memory_space<vmem>>) target(%dma_start3A_132 : memref<10256x128xf32, #tpu.memory_space<vmem_shared>>) offsets(%dma_start3A_129 : memref<128xi32, #tpu.memory_space<vmem>>) semaphore(%run_scoped3A_126 : memref<!tpu.dma_semaphore, #tpu.memory_space<semaphore_mem>>) {add = true}
        %dma_wait3A_133 = arith.constant 0 : i32
        %dma_wait3A_134 = tpu.memref_slice %arg9[%run_scoped3A_118, %dma_wait3A_133] : memref<1x128xi32, #tpu.memory_space<vmem>> -> memref<1x128xi32, #tpu.memory_space<vmem>>
        %dma_wait3A_135 = tpu.memref_squeeze %dma_wait3A_134 : memref<1x128xi32, #tpu.memory_space<vmem>> -> memref<128xi32, #tpu.memory_space<vmem>>
        %dma_wait3A_136 = arith.constant 0 : i32
        %dma_wait3A_137 = arith.constant 0 : i32
        %dma_wait3A_138 = tpu.memref_slice %arg12[%dma_wait3A_136, %dma_wait3A_137] : memref<10256x128xf32, #tpu.memory_space<vmem_shared>> -> memref<10256x128xf32, #tpu.memory_space<vmem_shared>>
        tpu.wait_indirect_dma semaphore(%run_scoped3A_126 : memref<!tpu.dma_semaphore, #tpu.memory_space<semaphore_mem>>) src(%arg11 : memref<128x128xf32, #tpu.memory_space<vmem>>) dst(%dma_wait3A_138 : memref<10256x128xf32, #tpu.memory_space<vmem_shared>>)
        tpu.yield
      }) : () -> ()
      %add3A_119 = arith.constant 3 : i32
      %add3A_120 = arith.addi %mul3A_79, %add3A_119 : i32
      %lt3A_121 = arith.constant 80 : i32
      %lt3A_122 = arith.cmpi slt, %add3A_120, %lt3A_121 : i32
      %convert_element_type3A_123 = arith.extui %lt3A_122 : i1 to i32
      %cond3A_124 = arith.constant 0 : i32
      %cond3A_125 = arith.cmpi ne, %convert_element_type3A_123, %cond3A_124 : i32
      scf.if %cond3A_125 {
        %add3A_126 = arith.constant 3 : i32
        %add3A_127 = arith.addi %mul3A_79, %add3A_126 : i32
        %dma_start3A_128 = arith.constant 0 : i32
        %dma_start3A_129 = arith.constant 0 : i32
        %dma_start3A_130 = tpu.memref_slice %arg4[%add3A, %add3A_127, %dma_start3A_128, %dma_start3A_129] : memref<32x80x1x128xi32, #tpu.memory_space<hbm>> -> memref<1x1x1x128xi32, #tpu.memory_space<hbm>>
        %dma_start3A_131 = tpu.memref_squeeze %dma_start3A_130 : memref<1x1x1x128xi32, #tpu.memory_space<hbm>> -> memref<1x128xi32, #tpu.memory_space<hbm>>
        %dma_start3A_132 = arith.constant 0 : i32
        %dma_start3A_133 = arith.constant 0 : i32
        %dma_start3A_134 = tpu.memref_slice %arg4[%add3A, %add3A_127, %dma_start3A_132, %dma_start3A_133] : memref<32x80x1x128xi32, #tpu.memory_space<hbm>> -> memref<1x1x1x128xi32, #tpu.memory_space<hbm>>
        %dma_start3A_135 = tpu.memref_squeeze %dma_start3A_134 : memref<1x1x1x128xi32, #tpu.memory_space<hbm>> -> memref<1x128xi32, #tpu.memory_space<hbm>>
        tpu.enqueue_dma source(%dma_start3A_135 : memref<1x128xi32, #tpu.memory_space<hbm>>) target(%arg9 : memref<1x128xi32, #tpu.memory_space<vmem>>) target_semaphore(%arg16 : memref<!tpu.dma_semaphore, #tpu.memory_space<semaphore_mem>>)
        %add3A_136 = arith.constant 3 : i32
        %add3A_137 = arith.addi %mul3A_79, %add3A_136 : i32
        %dma_start3A_138 = arith.constant 0 : i32
        %dma_start3A_139 = tpu.memref_slice %arg7[%add3A_137, %dma_start3A_138] : memref<80x128xi32, #tpu.memory_space<vmem>> -> memref<1x128xi32, #tpu.memory_space<vmem>>
        %dma_start3A_140 = tpu.memref_squeeze %dma_start3A_139 : memref<1x128xi32, #tpu.memory_space<vmem>> -> memref<128xi32, #tpu.memory_space<vmem>>
        %dma_start3A_141 = arith.constant 0 : i32
        %dma_start3A_142 = arith.constant 0 : i32
        %dma_start3A_143 = tpu.memref_slice %arg2[%dma_start3A_141, %dma_start3A_142] : memref<10000x128xf32, #tpu.memory_space<hbm>> -> memref<10000x128xf32, #tpu.memory_space<hbm>>
        tpu.enqueue_indirect_dma source(%dma_start3A_143 : memref<10000x128xf32, #tpu.memory_space<hbm>>) target(%arg11 : memref<128x128xf32, #tpu.memory_space<vmem>>) offsets(%dma_start3A_140 : memref<128xi32, #tpu.memory_space<vmem>>) semaphore(%arg14 : memref<!tpu.dma_semaphore, #tpu.memory_space<semaphore_mem>>)
      } else {
      }
    }
    %scan3A_65 = arith.constant 40 : i32
    %barrier3A_66 = arith.constant 0 : index
    tpu.barrier barrier_id(%barrier3A_66)
    %lt3A_67 = arith.constant 15 : i32
    %lt3A_68 = arith.cmpi slt, %arg1, %lt3A_67 : i32
    %convert_element_type3A_69 = arith.extui %lt3A_68 : i1 to i32
    %cond3A_70 = arith.constant 0 : i32
    %cond3A_71 = arith.cmpi ne, %convert_element_type3A_69, %cond3A_70 : i32
    scf.if %cond3A_71 {
      "tpu.region"() ({
        %run_scoped3A = tpu.sem_alloc : memref<!tpu.dma_semaphore, #tpu.memory_space<semaphore_mem>>
        %dma_start3A_77 = arith.constant 0 : i32
        %dma_start3A_78 = tpu.memref_slice %arg6[%arg0, %mul3A_2, %dma_start3A_77] : memref<2x10000x128xf32, #tpu.memory_space<hbm>> -> memref<1x624x128xf32, #tpu.memory_space<hbm>>
        %dma_start3A_79 = tpu.memref_squeeze %dma_start3A_78 : memref<1x624x128xf32, #tpu.memory_space<hbm>> -> memref<624x128xf32, #tpu.memory_space<hbm>>
        %dma_start3A_80 = arith.constant 0 : i32
        %dma_start3A_81 = tpu.memref_slice %arg12[%mul3A_2, %dma_start3A_80] : memref<10256x128xf32, #tpu.memory_space<vmem_shared>> -> memref<624x128xf32, #tpu.memory_space<vmem_shared>>
        tpu.enqueue_dma source(%dma_start3A_81 : memref<624x128xf32, #tpu.memory_space<vmem_shared>>) target(%dma_start3A_79 : memref<624x128xf32, #tpu.memory_space<hbm>>) target_semaphore(%run_scoped3A : memref<!tpu.dma_semaphore, #tpu.memory_space<semaphore_mem>>)
        %dma_wait3A = arith.constant 0 : i32
        %dma_wait3A_82 = tpu.memref_slice %arg6[%arg0, %mul3A_2, %dma_wait3A] : memref<2x10000x128xf32, #tpu.memory_space<hbm>> -> memref<1x624x128xf32, #tpu.memory_space<hbm>>
        %dma_wait3A_83 = tpu.memref_squeeze %dma_wait3A_82 : memref<1x624x128xf32, #tpu.memory_space<hbm>> -> memref<624x128xf32, #tpu.memory_space<hbm>>
        %dma_wait3A_84 = arith.constant 0 : i32
        %dma_wait3A_85 = tpu.memref_slice %arg12[%mul3A_2, %dma_wait3A_84] : memref<10256x128xf32, #tpu.memory_space<vmem_shared>> -> memref<624x128xf32, #tpu.memory_space<vmem_shared>>
        tpu.wait_dma2 semaphore(%run_scoped3A : memref<!tpu.dma_semaphore, #tpu.memory_space<semaphore_mem>>) src(%dma_wait3A_85 : memref<624x128xf32, #tpu.memory_space<vmem_shared>>) dst(%dma_wait3A_83 : memref<624x128xf32, #tpu.memory_space<hbm>>)
        tpu.yield
      }) : () -> ()
    } else {
    }
    %eq3A_72 = arith.constant 15 : i32
    %eq3A_73 = arith.cmpi eq, %arg1, %eq3A_72 : i32
    %convert_element_type3A_74 = arith.extui %eq3A_73 : i1 to i32
    %cond3A_75 = arith.constant 0 : i32
    %cond3A_76 = arith.cmpi ne, %convert_element_type3A_74, %cond3A_75 : i32
    scf.if %cond3A_76 {
      "tpu.region"() ({
        %run_scoped3A = tpu.sem_alloc : memref<!tpu.dma_semaphore, #tpu.memory_space<semaphore_mem>>
        %dma_start3A_77 = arith.constant 9360 : i32
        %dma_start3A_78 = arith.constant 0 : i32
        %dma_start3A_79 = tpu.memref_slice %arg6[%arg0, %dma_start3A_77, %dma_start3A_78] : memref<2x10000x128xf32, #tpu.memory_space<hbm>> -> memref<1x640x128xf32, #tpu.memory_space<hbm>>
        %dma_start3A_80 = tpu.memref_squeeze %dma_start3A_79 : memref<1x640x128xf32, #tpu.memory_space<hbm>> -> memref<640x128xf32, #tpu.memory_space<hbm>>
        %dma_start3A_81 = arith.constant 9360 : i32
        %dma_start3A_82 = arith.constant 0 : i32
        %dma_start3A_83 = tpu.memref_slice %arg12[%dma_start3A_81, %dma_start3A_82] : memref<10256x128xf32, #tpu.memory_space<vmem_shared>> -> memref<640x128xf32, #tpu.memory_space<vmem_shared>>
        tpu.enqueue_dma source(%dma_start3A_83 : memref<640x128xf32, #tpu.memory_space<vmem_shared>>) target(%dma_start3A_80 : memref<640x128xf32, #tpu.memory_space<hbm>>) target_semaphore(%run_scoped3A : memref<!tpu.dma_semaphore, #tpu.memory_space<semaphore_mem>>)
        %dma_wait3A = arith.constant 9360 : i32
        %dma_wait3A_84 = arith.constant 0 : i32
        %dma_wait3A_85 = tpu.memref_slice %arg6[%arg0, %dma_wait3A, %dma_wait3A_84] : memref<2x10000x128xf32, #tpu.memory_space<hbm>> -> memref<1x640x128xf32, #tpu.memory_space<hbm>>
        %dma_wait3A_86 = tpu.memref_squeeze %dma_wait3A_85 : memref<1x640x128xf32, #tpu.memory_space<hbm>> -> memref<640x128xf32, #tpu.memory_space<hbm>>
        %dma_wait3A_87 = arith.constant 9360 : i32
        %dma_wait3A_88 = arith.constant 0 : i32
        %dma_wait3A_89 = tpu.memref_slice %arg12[%dma_wait3A_87, %dma_wait3A_88] : memref<10256x128xf32, #tpu.memory_space<vmem_shared>> -> memref<640x128xf32, #tpu.memory_space<vmem_shared>>
        tpu.wait_dma2 semaphore(%run_scoped3A : memref<!tpu.dma_semaphore, #tpu.memory_space<semaphore_mem>>) src(%dma_wait3A_89 : memref<640x128xf32, #tpu.memory_space<vmem_shared>>) dst(%dma_wait3A_86 : memref<640x128xf32, #tpu.memory_space<hbm>>)
        tpu.yield
      }) : () -> ()
    } else {
    }
    return
  }
}

#map = affine_map<(d0, d1) -> (0, 0)>
#map1 = affine_map<(d0, d1) -> (0, 0, 0)>
#map2 = affine_map<(d0, d1) -> (0, 0, 0, 0)>
module attributes {stable_mosaic.version = 14 : i64} {
  func.func @agg(%arg0: i32, %arg1: i32, %arg2: memref<10000x128xf32, #tpu.memory_space<hbm>>, %arg3: memref<32x80x128xi32, #tpu.memory_space<hbm>>, %arg4: memref<32x80x1x128xi32, #tpu.memory_space<hbm>>, %arg5: memref<10000x128xf32, #tpu.memory_space<hbm>>, %arg6: memref<2x10000x128xf32, #tpu.memory_space<hbm>>, %arg7: memref<80x128xi32, #tpu.memory_space<vmem>>, %arg8: memref<1x128xi32, #tpu.memory_space<vmem>>, %arg9: memref<1x128xi32, #tpu.memory_space<vmem>>, %arg10: memref<128x128xf32, #tpu.memory_space<vmem>>, %arg11: memref<128x128xf32, #tpu.memory_space<vmem>>, %arg12: memref<10256x128xf32, #tpu.memory_space<vmem_shared>>, %arg13: memref<!tpu.dma_semaphore, #tpu.memory_space<semaphore_mem>>, %arg14: memref<!tpu.dma_semaphore, #tpu.memory_space<semaphore_mem>>, %arg15: memref<!tpu.dma_semaphore, #tpu.memory_space<semaphore_mem>>, %arg16: memref<!tpu.dma_semaphore, #tpu.memory_space<semaphore_mem>>) attributes {dimension_semantics = [#tpu.dimension_semantics<core_parallel>, #tpu.dimension_semantics<subcore_parallel>], iteration_bounds = array<i64: 2, 16>, scalar_prefetch = 0 : i64, scratch_operands = 10 : i64, tpu.core_type = #tpu.core_type<sc_vector_subcore>, window_params = [{transform_indices = #map}, {transform_indices = #map1}, {transform_indices = #map2}, {transform_indices = #map}, {transform_indices = #map1}]} {
    %mul3A = arith.constant 2 : i32
    %mul3A_0 = arith.muli %arg1, %mul3A : i32
    %add3A = arith.addi %mul3A_0, %arg0 : i32
    %mul3A_1 = arith.constant 624 : i32
    %mul3A_2 = arith.muli %arg1, %mul3A_1 : i32
    "tpu.region"() ({
      %run_scoped3A = tpu.sem_alloc : memref<!tpu.dma_semaphore, #tpu.memory_space<semaphore_mem>>
      %dma_start3A_77 = arith.constant 0 : i32
      %dma_start3A_78 = arith.constant 0 : i32
      %dma_start3A_79 = tpu.memref_slice %arg3[%add3A, %dma_start3A_77, %dma_start3A_78] : memref<32x80x128xi32, #tpu.memory_space<hbm>> -> memref<1x80x128xi32, #tpu.memory_space<hbm>>
      %dma_start3A_80 = tpu.memref_squeeze %dma_start3A_79 : memref<1x80x128xi32, #tpu.memory_space<hbm>> -> memref<80x128xi32, #tpu.memory_space<hbm>>
      %dma_start3A_81 = arith.constant 0 : i32
      %dma_start3A_82 = arith.constant 0 : i32
      %dma_start3A_83 = tpu.memref_slice %arg3[%add3A, %dma_start3A_81, %dma_start3A_82] : memref<32x80x128xi32, #tpu.memory_space<hbm>> -> memref<1x80x128xi32, #tpu.memory_space<hbm>>
      %dma_start3A_84 = tpu.memref_squeeze %dma_start3A_83 : memref<1x80x128xi32, #tpu.memory_space<hbm>> -> memref<80x128xi32, #tpu.memory_space<hbm>>
      tpu.enqueue_dma source(%dma_start3A_84 : memref<80x128xi32, #tpu.memory_space<hbm>>) target(%arg7 : memref<80x128xi32, #tpu.memory_space<vmem>>) target_semaphore(%run_scoped3A : memref<!tpu.dma_semaphore, #tpu.memory_space<semaphore_mem>>)
      %dma_wait3A = arith.constant 0 : i32
      %dma_wait3A_85 = arith.constant 0 : i32
      %dma_wait3A_86 = tpu.memref_slice %arg3[%add3A, %dma_wait3A, %dma_wait3A_85] : memref<32x80x128xi32, #tpu.memory_space<hbm>> -> memref<1x80x128xi32, #tpu.memory_space<hbm>>
      %dma_wait3A_87 = tpu.memref_squeeze %dma_wait3A_86 : memref<1x80x128xi32, #tpu.memory_space<hbm>> -> memref<80x128xi32, #tpu.memory_space<hbm>>
      %dma_wait3A_88 = arith.constant 0 : i32
      %dma_wait3A_89 = arith.constant 0 : i32
      %dma_wait3A_90 = tpu.memref_slice %arg3[%add3A, %dma_wait3A_88, %dma_wait3A_89] : memref<32x80x128xi32, #tpu.memory_space<hbm>> -> memref<1x80x128xi32, #tpu.memory_space<hbm>>
      %dma_wait3A_91 = tpu.memref_squeeze %dma_wait3A_90 : memref<1x80x128xi32, #tpu.memory_space<hbm>> -> memref<80x128xi32, #tpu.memory_space<hbm>>
      tpu.wait_dma2 semaphore(%run_scoped3A : memref<!tpu.dma_semaphore, #tpu.memory_space<semaphore_mem>>) src(%dma_wait3A_91 : memref<80x128xi32, #tpu.memory_space<hbm>>) dst(%arg7 : memref<80x128xi32, #tpu.memory_space<vmem>>)
      tpu.yield
    }) : () -> ()
    %dma_start3A = arith.constant 0 : i32
    %dma_start3A_3 = arith.constant 0 : i32
    %dma_start3A_4 = arith.constant 0 : i32
    %dma_start3A_5 = tpu.memref_slice %arg4[%add3A, %dma_start3A, %dma_start3A_3, %dma_start3A_4] : memref<32x80x1x128xi32, #tpu.memory_space<hbm>> -> memref<1x1x1x128xi32, #tpu.memory_space<hbm>>
    %dma_start3A_6 = tpu.memref_squeeze %dma_start3A_5 : memref<1x1x1x128xi32, #tpu.memory_space<hbm>> -> memref<1x128xi32, #tpu.memory_space<hbm>>
    %dma_start3A_7 = arith.constant 0 : i32
    %dma_start3A_8 = arith.constant 0 : i32
    %dma_start3A_9 = tpu.memref_slice %arg4[%add3A, %dma_start3A, %dma_start3A_7, %dma_start3A_8] : memref<32x80x1x128xi32, #tpu.memory_space<hbm>> -> memref<1x1x1x128xi32, #tpu.memory_space<hbm>>
    %dma_start3A_10 = tpu.memref_squeeze %dma_start3A_9 : memref<1x1x1x128xi32, #tpu.memory_space<hbm>> -> memref<1x128xi32, #tpu.memory_space<hbm>>
    tpu.enqueue_dma source(%dma_start3A_10 : memref<1x128xi32, #tpu.memory_space<hbm>>) target(%arg8 : memref<1x128xi32, #tpu.memory_space<vmem>>) target_semaphore(%arg15 : memref<!tpu.dma_semaphore, #tpu.memory_space<semaphore_mem>>)
    %dma_start3A_11 = arith.constant 1 : i32
    %dma_start3A_12 = arith.constant 0 : i32
    %dma_start3A_13 = arith.constant 0 : i32
    %dma_start3A_14 = tpu.memref_slice %arg4[%add3A, %dma_start3A_11, %dma_start3A_12, %dma_start3A_13] : memref<32x80x1x128xi32, #tpu.memory_space<hbm>> -> memref<1x1x1x128xi32, #tpu.memory_space<hbm>>
    %dma_start3A_15 = tpu.memref_squeeze %dma_start3A_14 : memref<1x1x1x128xi32, #tpu.memory_space<hbm>> -> memref<1x128xi32, #tpu.memory_space<hbm>>
    %dma_start3A_16 = arith.constant 0 : i32
    %dma_start3A_17 = arith.constant 0 : i32
    %dma_start3A_18 = tpu.memref_slice %arg4[%add3A, %dma_start3A_11, %dma_start3A_16, %dma_start3A_17] : memref<32x80x1x128xi32, #tpu.memory_space<hbm>> -> memref<1x1x1x128xi32, #tpu.memory_space<hbm>>
    %dma_start3A_19 = tpu.memref_squeeze %dma_start3A_18 : memref<1x1x1x128xi32, #tpu.memory_space<hbm>> -> memref<1x128xi32, #tpu.memory_space<hbm>>
    tpu.enqueue_dma source(%dma_start3A_19 : memref<1x128xi32, #tpu.memory_space<hbm>>) target(%arg9 : memref<1x128xi32, #tpu.memory_space<vmem>>) target_semaphore(%arg16 : memref<!tpu.dma_semaphore, #tpu.memory_space<semaphore_mem>>)
    %dma_start3A_20 = arith.constant 0 : i32
    %dma_start3A_21 = arith.constant 0 : i32
    %dma_start3A_22 = tpu.memref_slice %arg7[%dma_start3A_20, %dma_start3A_21] : memref<80x128xi32, #tpu.memory_space<vmem>> -> memref<1x128xi32, #tpu.memory_space<vmem>>
    %dma_start3A_23 = tpu.memref_squeeze %dma_start3A_22 : memref<1x128xi32, #tpu.memory_space<vmem>> -> memref<128xi32, #tpu.memory_space<vmem>>
    %dma_start3A_24 = arith.constant 0 : i32
    %dma_start3A_25 = arith.constant 0 : i32
    %dma_start3A_26 = tpu.memref_slice %arg2[%dma_start3A_24, %dma_start3A_25] : memref<10000x128xf32, #tpu.memory_space<hbm>> -> memref<10000x128xf32, #tpu.memory_space<hbm>>
    tpu.enqueue_indirect_dma source(%dma_start3A_26 : memref<10000x128xf32, #tpu.memory_space<hbm>>) target(%arg10 : memref<128x128xf32, #tpu.memory_space<vmem>>) offsets(%dma_start3A_23 : memref<128xi32, #tpu.memory_space<vmem>>) semaphore(%arg13 : memref<!tpu.dma_semaphore, #tpu.memory_space<semaphore_mem>>)
    %dma_start3A_27 = arith.constant 1 : i32
    %dma_start3A_28 = arith.constant 0 : i32
    %dma_start3A_29 = tpu.memref_slice %arg7[%dma_start3A_27, %dma_start3A_28] : memref<80x128xi32, #tpu.memory_space<vmem>> -> memref<1x128xi32, #tpu.memory_space<vmem>>
    %dma_start3A_30 = tpu.memref_squeeze %dma_start3A_29 : memref<1x128xi32, #tpu.memory_space<vmem>> -> memref<128xi32, #tpu.memory_space<vmem>>
    %dma_start3A_31 = arith.constant 0 : i32
    %dma_start3A_32 = arith.constant 0 : i32
    %dma_start3A_33 = tpu.memref_slice %arg2[%dma_start3A_31, %dma_start3A_32] : memref<10000x128xf32, #tpu.memory_space<hbm>> -> memref<10000x128xf32, #tpu.memory_space<hbm>>
    tpu.enqueue_indirect_dma source(%dma_start3A_33 : memref<10000x128xf32, #tpu.memory_space<hbm>>) target(%arg11 : memref<128x128xf32, #tpu.memory_space<vmem>>) offsets(%dma_start3A_30 : memref<128xi32, #tpu.memory_space<vmem>>) semaphore(%arg14 : memref<!tpu.dma_semaphore, #tpu.memory_space<semaphore_mem>>)
    %lt3A = arith.constant 15 : i32
    %lt3A_34 = arith.cmpi slt, %arg1, %lt3A : i32
    %eq3A = arith.constant 0 : i32
    %eq3A_35 = arith.cmpi eq, %arg0, %eq3A : i32
    %and3A = arith.andi %lt3A_34, %eq3A_35 : i1
    %convert_element_type3A = arith.extui %and3A : i1 to i32
    %cond3A = arith.constant 0 : i32
    %cond3A_36 = arith.cmpi ne, %convert_element_type3A, %cond3A : i32
    scf.if %cond3A_36 {
      "tpu.region"() ({
        %run_scoped3A = tpu.sem_alloc : memref<!tpu.dma_semaphore, #tpu.memory_space<semaphore_mem>>
        %dma_start3A_77 = arith.constant 0 : i32
        %dma_start3A_78 = tpu.memref_slice %arg12[%mul3A_2, %dma_start3A_77] : memref<10256x128xf32, #tpu.memory_space<vmem_shared>> -> memref<624x128xf32, #tpu.memory_space<vmem_shared>>
        %dma_start3A_79 = arith.constant 0 : i32
        %dma_start3A_80 = tpu.memref_slice %arg2[%mul3A_2, %dma_start3A_79] : memref<10000x128xf32, #tpu.memory_space<hbm>> -> memref<624x128xf32, #tpu.memory_space<hbm>>
        tpu.enqueue_dma source(%dma_start3A_80 : memref<624x128xf32, #tpu.memory_space<hbm>>) target(%dma_start3A_78 : memref<624x128xf32, #tpu.memory_space<vmem_shared>>) target_semaphore(%run_scoped3A : memref<!tpu.dma_semaphore, #tpu.memory_space<semaphore_mem>>)
        %dma_wait3A = arith.constant 0 : i32
        %dma_wait3A_81 = tpu.memref_slice %arg12[%mul3A_2, %dma_wait3A] : memref<10256x128xf32, #tpu.memory_space<vmem_shared>> -> memref<624x128xf32, #tpu.memory_space<vmem_shared>>
        %dma_wait3A_82 = arith.constant 0 : i32
        %dma_wait3A_83 = tpu.memref_slice %arg2[%mul3A_2, %dma_wait3A_82] : memref<10000x128xf32, #tpu.memory_space<hbm>> -> memref<624x128xf32, #tpu.memory_space<hbm>>
        tpu.wait_dma2 semaphore(%run_scoped3A : memref<!tpu.dma_semaphore, #tpu.memory_space<semaphore_mem>>) src(%dma_wait3A_83 : memref<624x128xf32, #tpu.memory_space<hbm>>) dst(%dma_wait3A_81 : memref<624x128xf32, #tpu.memory_space<vmem_shared>>)
        tpu.yield
      }) : () -> ()
    } else {
    }
    %eq3A_37 = arith.constant 15 : i32
    %eq3A_38 = arith.cmpi eq, %arg1, %eq3A_37 : i32
    %eq3A_39 = arith.constant 0 : i32
    %eq3A_40 = arith.cmpi eq, %arg0, %eq3A_39 : i32
    %and3A_41 = arith.andi %eq3A_38, %eq3A_40 : i1
    %convert_element_type3A_42 = arith.extui %and3A_41 : i1 to i32
    %cond3A_43 = arith.constant 0 : i32
    %cond3A_44 = arith.cmpi ne, %convert_element_type3A_42, %cond3A_43 : i32
    scf.if %cond3A_44 {
      "tpu.region"() ({
        %run_scoped3A = tpu.sem_alloc : memref<!tpu.dma_semaphore, #tpu.memory_space<semaphore_mem>>
        %dma_start3A_77 = arith.constant 9360 : i32
        %dma_start3A_78 = arith.constant 0 : i32
        %dma_start3A_79 = tpu.memref_slice %arg12[%dma_start3A_77, %dma_start3A_78] : memref<10256x128xf32, #tpu.memory_space<vmem_shared>> -> memref<640x128xf32, #tpu.memory_space<vmem_shared>>
        %dma_start3A_80 = arith.constant 9360 : i32
        %dma_start3A_81 = arith.constant 0 : i32
        %dma_start3A_82 = tpu.memref_slice %arg2[%dma_start3A_80, %dma_start3A_81] : memref<10000x128xf32, #tpu.memory_space<hbm>> -> memref<640x128xf32, #tpu.memory_space<hbm>>
        tpu.enqueue_dma source(%dma_start3A_82 : memref<640x128xf32, #tpu.memory_space<hbm>>) target(%dma_start3A_79 : memref<640x128xf32, #tpu.memory_space<vmem_shared>>) target_semaphore(%run_scoped3A : memref<!tpu.dma_semaphore, #tpu.memory_space<semaphore_mem>>)
        %dma_wait3A = arith.constant 9360 : i32
        %dma_wait3A_83 = arith.constant 0 : i32
        %dma_wait3A_84 = tpu.memref_slice %arg12[%dma_wait3A, %dma_wait3A_83] : memref<10256x128xf32, #tpu.memory_space<vmem_shared>> -> memref<640x128xf32, #tpu.memory_space<vmem_shared>>
        %dma_wait3A_85 = arith.constant 9360 : i32
        %dma_wait3A_86 = arith.constant 0 : i32
        %dma_wait3A_87 = tpu.memref_slice %arg2[%dma_wait3A_85, %dma_wait3A_86] : memref<10000x128xf32, #tpu.memory_space<hbm>> -> memref<640x128xf32, #tpu.memory_space<hbm>>
        tpu.wait_dma2 semaphore(%run_scoped3A : memref<!tpu.dma_semaphore, #tpu.memory_space<semaphore_mem>>) src(%dma_wait3A_87 : memref<640x128xf32, #tpu.memory_space<hbm>>) dst(%dma_wait3A_84 : memref<640x128xf32, #tpu.memory_space<vmem_shared>>)
        tpu.yield
      }) : () -> ()
    } else {
    }
    %lt3A_45 = arith.constant 15 : i32
    %lt3A_46 = arith.cmpi slt, %arg1, %lt3A_45 : i32
    %eq3A_47 = arith.constant 1 : i32
    %eq3A_48 = arith.cmpi eq, %arg0, %eq3A_47 : i32
    %and3A_49 = arith.andi %lt3A_46, %eq3A_48 : i1
    %convert_element_type3A_50 = arith.extui %and3A_49 : i1 to i32
    %cond3A_51 = arith.constant 0 : i32
    %cond3A_52 = arith.cmpi ne, %convert_element_type3A_50, %cond3A_51 : i32
    scf.if %cond3A_52 {
      "tpu.region"() ({
        %run_scoped3A = tpu.sem_alloc : memref<!tpu.dma_semaphore, #tpu.memory_space<semaphore_mem>>
        %dma_start3A_77 = arith.constant 0 : i32
        %dma_start3A_78 = tpu.memref_slice %arg12[%mul3A_2, %dma_start3A_77] : memref<10256x128xf32, #tpu.memory_space<vmem_shared>> -> memref<624x128xf32, #tpu.memory_space<vmem_shared>>
        %dma_start3A_79 = arith.constant 0 : i32
        %dma_start3A_80 = tpu.memref_slice %arg5[%mul3A_2, %dma_start3A_79] : memref<10000x128xf32, #tpu.memory_space<hbm>> -> memref<624x128xf32, #tpu.memory_space<hbm>>
        tpu.enqueue_dma source(%dma_start3A_80 : memref<624x128xf32, #tpu.memory_space<hbm>>) target(%dma_start3A_78 : memref<624x128xf32, #tpu.memory_space<vmem_shared>>) target_semaphore(%run_scoped3A : memref<!tpu.dma_semaphore, #tpu.memory_space<semaphore_mem>>)
        %dma_wait3A = arith.constant 0 : i32
        %dma_wait3A_81 = tpu.memref_slice %arg12[%mul3A_2, %dma_wait3A] : memref<10256x128xf32, #tpu.memory_space<vmem_shared>> -> memref<624x128xf32, #tpu.memory_space<vmem_shared>>
        %dma_wait3A_82 = arith.constant 0 : i32
        %dma_wait3A_83 = tpu.memref_slice %arg5[%mul3A_2, %dma_wait3A_82] : memref<10000x128xf32, #tpu.memory_space<hbm>> -> memref<624x128xf32, #tpu.memory_space<hbm>>
        tpu.wait_dma2 semaphore(%run_scoped3A : memref<!tpu.dma_semaphore, #tpu.memory_space<semaphore_mem>>) src(%dma_wait3A_83 : memref<624x128xf32, #tpu.memory_space<hbm>>) dst(%dma_wait3A_81 : memref<624x128xf32, #tpu.memory_space<vmem_shared>>)
        tpu.yield
      }) : () -> ()
    } else {
    }
    %eq3A_53 = arith.constant 15 : i32
    %eq3A_54 = arith.cmpi eq, %arg1, %eq3A_53 : i32
    %eq3A_55 = arith.constant 1 : i32
    %eq3A_56 = arith.cmpi eq, %arg0, %eq3A_55 : i32
    %and3A_57 = arith.andi %eq3A_54, %eq3A_56 : i1
    %convert_element_type3A_58 = arith.extui %and3A_57 : i1 to i32
    %cond3A_59 = arith.constant 0 : i32
    %cond3A_60 = arith.cmpi ne, %convert_element_type3A_58, %cond3A_59 : i32
    scf.if %cond3A_60 {
      "tpu.region"() ({
        %run_scoped3A = tpu.sem_alloc : memref<!tpu.dma_semaphore, #tpu.memory_space<semaphore_mem>>
        %dma_start3A_77 = arith.constant 9360 : i32
        %dma_start3A_78 = arith.constant 0 : i32
        %dma_start3A_79 = tpu.memref_slice %arg12[%dma_start3A_77, %dma_start3A_78] : memref<10256x128xf32, #tpu.memory_space<vmem_shared>> -> memref<640x128xf32, #tpu.memory_space<vmem_shared>>
        %dma_start3A_80 = arith.constant 9360 : i32
        %dma_start3A_81 = arith.constant 0 : i32
        %dma_start3A_82 = tpu.memref_slice %arg5[%dma_start3A_80, %dma_start3A_81] : memref<10000x128xf32, #tpu.memory_space<hbm>> -> memref<640x128xf32, #tpu.memory_space<hbm>>
        tpu.enqueue_dma source(%dma_start3A_82 : memref<640x128xf32, #tpu.memory_space<hbm>>) target(%dma_start3A_79 : memref<640x128xf32, #tpu.memory_space<vmem_shared>>) target_semaphore(%run_scoped3A : memref<!tpu.dma_semaphore, #tpu.memory_space<semaphore_mem>>)
        %dma_wait3A = arith.constant 9360 : i32
        %dma_wait3A_83 = arith.constant 0 : i32
        %dma_wait3A_84 = tpu.memref_slice %arg12[%dma_wait3A, %dma_wait3A_83] : memref<10256x128xf32, #tpu.memory_space<vmem_shared>> -> memref<640x128xf32, #tpu.memory_space<vmem_shared>>
        %dma_wait3A_85 = arith.constant 9360 : i32
        %dma_wait3A_86 = arith.constant 0 : i32
        %dma_wait3A_87 = tpu.memref_slice %arg5[%dma_wait3A_85, %dma_wait3A_86] : memref<10000x128xf32, #tpu.memory_space<hbm>> -> memref<640x128xf32, #tpu.memory_space<hbm>>
        tpu.wait_dma2 semaphore(%run_scoped3A : memref<!tpu.dma_semaphore, #tpu.memory_space<semaphore_mem>>) src(%dma_wait3A_87 : memref<640x128xf32, #tpu.memory_space<hbm>>) dst(%dma_wait3A_84 : memref<640x128xf32, #tpu.memory_space<vmem_shared>>)
        tpu.yield
      }) : () -> ()
    } else {
    }
    %barrier3A = arith.constant 0 : index
    tpu.barrier barrier_id(%barrier3A)
    %scan3A = arith.constant 0 : i32
    %scan3A_61 = arith.constant 0 : i32
    %scan3A_62 = arith.constant 40 : i32
    %scan3A_63 = arith.addi %scan3A_61, %scan3A_62 : i32
    %scan3A_64 = arith.constant 1 : i32
    scf.for %scan3A_77 = %scan3A_61 to %scan3A_63 step %scan3A_64  : i32 {
      %mul3A_78 = arith.constant 2 : i32
      %mul3A_79 = arith.muli %mul3A_78, %scan3A_77 : i32
      %dma_wait3A = arith.constant 0 : i32
      %dma_wait3A_80 = arith.constant 0 : i32
      %dma_wait3A_81 = tpu.memref_slice %arg4[%add3A, %mul3A_79, %dma_wait3A, %dma_wait3A_80] : memref<32x80x1x128xi32, #tpu.memory_space<hbm>> -> memref<1x1x1x128xi32, #tpu.memory_space<hbm>>
      %dma_wait3A_82 = tpu.memref_squeeze %dma_wait3A_81 : memref<1x1x1x128xi32, #tpu.memory_space<hbm>> -> memref<1x128xi32, #tpu.memory_space<hbm>>
      %dma_wait3A_83 = arith.constant 0 : i32
      %dma_wait3A_84 = arith.constant 0 : i32
      %dma_wait3A_85 = tpu.memref_slice %arg4[%add3A, %mul3A_79, %dma_wait3A_83, %dma_wait3A_84] : memref<32x80x1x128xi32, #tpu.memory_space<hbm>> -> memref<1x1x1x128xi32, #tpu.memory_space<hbm>>
      %dma_wait3A_86 = tpu.memref_squeeze %dma_wait3A_85 : memref<1x1x1x128xi32, #tpu.memory_space<hbm>> -> memref<1x128xi32, #tpu.memory_space<hbm>>
      tpu.wait_dma2 semaphore(%arg15 : memref<!tpu.dma_semaphore, #tpu.memory_space<semaphore_mem>>) src(%dma_wait3A_86 : memref<1x128xi32, #tpu.memory_space<hbm>>) dst(%arg8 : memref<1x128xi32, #tpu.memory_space<vmem>>)
      %dma_wait3A_87 = arith.constant 0 : i32
      %dma_wait3A_88 = tpu.memref_slice %arg7[%mul3A_79, %dma_wait3A_87] : memref<80x128xi32, #tpu.memory_space<vmem>> -> memref<1x128xi32, #tpu.memory_space<vmem>>
      %dma_wait3A_89 = tpu.memref_squeeze %dma_wait3A_88 : memref<1x128xi32, #tpu.memory_space<vmem>> -> memref<128xi32, #tpu.memory_space<vmem>>
      %dma_wait3A_90 = arith.constant 0 : i32
      %dma_wait3A_91 = arith.constant 0 : i32
      %dma_wait3A_92 = tpu.memref_slice %arg2[%dma_wait3A_90, %dma_wait3A_91] : memref<10000x128xf32, #tpu.memory_space<hbm>> -> memref<10000x128xf32, #tpu.memory_space<hbm>>
      tpu.wait_indirect_dma semaphore(%arg13 : memref<!tpu.dma_semaphore, #tpu.memory_space<semaphore_mem>>) src(%dma_wait3A_92 : memref<10000x128xf32, #tpu.memory_space<hbm>>) dst(%arg10 : memref<128x128xf32, #tpu.memory_space<vmem>>)
      %run_scoped3A = arith.constant 0 : i32
      "tpu.region"() ({
        %run_scoped3A_126 = tpu.sem_alloc : memref<!tpu.dma_semaphore, #tpu.memory_space<semaphore_mem>>
        %dma_start3A_127 = arith.constant 0 : i32
        %dma_start3A_128 = tpu.memref_slice %arg8[%run_scoped3A, %dma_start3A_127] : memref<1x128xi32, #tpu.memory_space<vmem>> -> memref<1x128xi32, #tpu.memory_space<vmem>>
        %dma_start3A_129 = tpu.memref_squeeze %dma_start3A_128 : memref<1x128xi32, #tpu.memory_space<vmem>> -> memref<128xi32, #tpu.memory_space<vmem>>
        %dma_start3A_130 = arith.constant 0 : i32
        %dma_start3A_131 = arith.constant 0 : i32
        %dma_start3A_132 = tpu.memref_slice %arg12[%dma_start3A_130, %dma_start3A_131] : memref<10256x128xf32, #tpu.memory_space<vmem_shared>> -> memref<10256x128xf32, #tpu.memory_space<vmem_shared>>
        tpu.enqueue_indirect_dma source(%arg10 : memref<128x128xf32, #tpu.memory_space<vmem>>) target(%dma_start3A_132 : memref<10256x128xf32, #tpu.memory_space<vmem_shared>>) offsets(%dma_start3A_129 : memref<128xi32, #tpu.memory_space<vmem>>) semaphore(%run_scoped3A_126 : memref<!tpu.dma_semaphore, #tpu.memory_space<semaphore_mem>>) {add = true}
        %dma_wait3A_133 = arith.constant 0 : i32
        %dma_wait3A_134 = tpu.memref_slice %arg8[%run_scoped3A, %dma_wait3A_133] : memref<1x128xi32, #tpu.memory_space<vmem>> -> memref<1x128xi32, #tpu.memory_space<vmem>>
        %dma_wait3A_135 = tpu.memref_squeeze %dma_wait3A_134 : memref<1x128xi32, #tpu.memory_space<vmem>> -> memref<128xi32, #tpu.memory_space<vmem>>
        %dma_wait3A_136 = arith.constant 0 : i32
        %dma_wait3A_137 = arith.constant 0 : i32
        %dma_wait3A_138 = tpu.memref_slice %arg12[%dma_wait3A_136, %dma_wait3A_137] : memref<10256x128xf32, #tpu.memory_space<vmem_shared>> -> memref<10256x128xf32, #tpu.memory_space<vmem_shared>>
        tpu.wait_indirect_dma semaphore(%run_scoped3A_126 : memref<!tpu.dma_semaphore, #tpu.memory_space<semaphore_mem>>) src(%arg10 : memref<128x128xf32, #tpu.memory_space<vmem>>) dst(%dma_wait3A_138 : memref<10256x128xf32, #tpu.memory_space<vmem_shared>>)
        tpu.yield
      }) : () -> ()
      %add3A_93 = arith.constant 2 : i32
      %add3A_94 = arith.addi %mul3A_79, %add3A_93 : i32
      %lt3A_95 = arith.constant 80 : i32
      %lt3A_96 = arith.cmpi slt, %add3A_94, %lt3A_95 : i32
      %convert_element_type3A_97 = arith.extui %lt3A_96 : i1 to i32
      %cond3A_98 = arith.constant 0 : i32
      %cond3A_99 = arith.cmpi ne, %convert_element_type3A_97, %cond3A_98 : i32
      scf.if %cond3A_99 {
        %add3A_126 = arith.constant 2 : i32
        %add3A_127 = arith.addi %mul3A_79, %add3A_126 : i32
        %dma_start3A_128 = arith.constant 0 : i32
        %dma_start3A_129 = arith.constant 0 : i32
        %dma_start3A_130 = tpu.memref_slice %arg4[%add3A, %add3A_127, %dma_start3A_128, %dma_start3A_129] : memref<32x80x1x128xi32, #tpu.memory_space<hbm>> -> memref<1x1x1x128xi32, #tpu.memory_space<hbm>>
        %dma_start3A_131 = tpu.memref_squeeze %dma_start3A_130 : memref<1x1x1x128xi32, #tpu.memory_space<hbm>> -> memref<1x128xi32, #tpu.memory_space<hbm>>
        %dma_start3A_132 = arith.constant 0 : i32
        %dma_start3A_133 = arith.constant 0 : i32
        %dma_start3A_134 = tpu.memref_slice %arg4[%add3A, %add3A_127, %dma_start3A_132, %dma_start3A_133] : memref<32x80x1x128xi32, #tpu.memory_space<hbm>> -> memref<1x1x1x128xi32, #tpu.memory_space<hbm>>
        %dma_start3A_135 = tpu.memref_squeeze %dma_start3A_134 : memref<1x1x1x128xi32, #tpu.memory_space<hbm>> -> memref<1x128xi32, #tpu.memory_space<hbm>>
        tpu.enqueue_dma source(%dma_start3A_135 : memref<1x128xi32, #tpu.memory_space<hbm>>) target(%arg8 : memref<1x128xi32, #tpu.memory_space<vmem>>) target_semaphore(%arg15 : memref<!tpu.dma_semaphore, #tpu.memory_space<semaphore_mem>>)
        %add3A_136 = arith.constant 2 : i32
        %add3A_137 = arith.addi %mul3A_79, %add3A_136 : i32
        %dma_start3A_138 = arith.constant 0 : i32
        %dma_start3A_139 = tpu.memref_slice %arg7[%add3A_137, %dma_start3A_138] : memref<80x128xi32, #tpu.memory_space<vmem>> -> memref<1x128xi32, #tpu.memory_space<vmem>>
        %dma_start3A_140 = tpu.memref_squeeze %dma_start3A_139 : memref<1x128xi32, #tpu.memory_space<vmem>> -> memref<128xi32, #tpu.memory_space<vmem>>
        %dma_start3A_141 = arith.constant 0 : i32
        %dma_start3A_142 = arith.constant 0 : i32
        %dma_start3A_143 = tpu.memref_slice %arg2[%dma_start3A_141, %dma_start3A_142] : memref<10000x128xf32, #tpu.memory_space<hbm>> -> memref<10000x128xf32, #tpu.memory_space<hbm>>
        tpu.enqueue_indirect_dma source(%dma_start3A_143 : memref<10000x128xf32, #tpu.memory_space<hbm>>) target(%arg10 : memref<128x128xf32, #tpu.memory_space<vmem>>) offsets(%dma_start3A_140 : memref<128xi32, #tpu.memory_space<vmem>>) semaphore(%arg13 : memref<!tpu.dma_semaphore, #tpu.memory_space<semaphore_mem>>)
      } else {
      }
      %add3A_100 = arith.constant 1 : i32
      %add3A_101 = arith.addi %mul3A_79, %add3A_100 : i32
      %dma_wait3A_102 = arith.constant 0 : i32
      %dma_wait3A_103 = arith.constant 0 : i32
      %dma_wait3A_104 = tpu.memref_slice %arg4[%add3A, %add3A_101, %dma_wait3A_102, %dma_wait3A_103] : memref<32x80x1x128xi32, #tpu.memory_space<hbm>> -> memref<1x1x1x128xi32, #tpu.memory_space<hbm>>
      %dma_wait3A_105 = tpu.memref_squeeze %dma_wait3A_104 : memref<1x1x1x128xi32, #tpu.memory_space<hbm>> -> memref<1x128xi32, #tpu.memory_space<hbm>>
      %dma_wait3A_106 = arith.constant 0 : i32
      %dma_wait3A_107 = arith.constant 0 : i32
      %dma_wait3A_108 = tpu.memref_slice %arg4[%add3A, %add3A_101, %dma_wait3A_106, %dma_wait3A_107] : memref<32x80x1x128xi32, #tpu.memory_space<hbm>> -> memref<1x1x1x128xi32, #tpu.memory_space<hbm>>
      %dma_wait3A_109 = tpu.memref_squeeze %dma_wait3A_108 : memref<1x1x1x128xi32, #tpu.memory_space<hbm>> -> memref<1x128xi32, #tpu.memory_space<hbm>>
      tpu.wait_dma2 semaphore(%arg16 : memref<!tpu.dma_semaphore, #tpu.memory_space<semaphore_mem>>) src(%dma_wait3A_109 : memref<1x128xi32, #tpu.memory_space<hbm>>) dst(%arg9 : memref<1x128xi32, #tpu.memory_space<vmem>>)
      %add3A_110 = arith.constant 1 : i32
      %add3A_111 = arith.addi %mul3A_79, %add3A_110 : i32
      %dma_wait3A_112 = arith.constant 0 : i32
      %dma_wait3A_113 = tpu.memref_slice %arg7[%add3A_111, %dma_wait3A_112] : memref<80x128xi32, #tpu.memory_space<vmem>> -> memref<1x128xi32, #tpu.memory_space<vmem>>
      %dma_wait3A_114 = tpu.memref_squeeze %dma_wait3A_113 : memref<1x128xi32, #tpu.memory_space<vmem>> -> memref<128xi32, #tpu.memory_space<vmem>>
      %dma_wait3A_115 = arith.constant 0 : i32
      %dma_wait3A_116 = arith.constant 0 : i32
      %dma_wait3A_117 = tpu.memref_slice %arg2[%dma_wait3A_115, %dma_wait3A_116] : memref<10000x128xf32, #tpu.memory_space<hbm>> -> memref<10000x128xf32, #tpu.memory_space<hbm>>
      tpu.wait_indirect_dma semaphore(%arg14 : memref<!tpu.dma_semaphore, #tpu.memory_space<semaphore_mem>>) src(%dma_wait3A_117 : memref<10000x128xf32, #tpu.memory_space<hbm>>) dst(%arg11 : memref<128x128xf32, #tpu.memory_space<vmem>>)
      %run_scoped3A_118 = arith.constant 0 : i32
      "tpu.region"() ({
        %run_scoped3A_126 = tpu.sem_alloc : memref<!tpu.dma_semaphore, #tpu.memory_space<semaphore_mem>>
        %dma_start3A_127 = arith.constant 0 : i32
        %dma_start3A_128 = tpu.memref_slice %arg9[%run_scoped3A_118, %dma_start3A_127] : memref<1x128xi32, #tpu.memory_space<vmem>> -> memref<1x128xi32, #tpu.memory_space<vmem>>
        %dma_start3A_129 = tpu.memref_squeeze %dma_start3A_128 : memref<1x128xi32, #tpu.memory_space<vmem>> -> memref<128xi32, #tpu.memory_space<vmem>>
        %dma_start3A_130 = arith.constant 0 : i32
        %dma_start3A_131 = arith.constant 0 : i32
        %dma_start3A_132 = tpu.memref_slice %arg12[%dma_start3A_130, %dma_start3A_131] : memref<10256x128xf32, #tpu.memory_space<vmem_shared>> -> memref<10256x128xf32, #tpu.memory_space<vmem_shared>>
        tpu.enqueue_indirect_dma source(%arg11 : memref<128x128xf32, #tpu.memory_space<vmem>>) target(%dma_start3A_132 : memref<10256x128xf32, #tpu.memory_space<vmem_shared>>) offsets(%dma_start3A_129 : memref<128xi32, #tpu.memory_space<vmem>>) semaphore(%run_scoped3A_126 : memref<!tpu.dma_semaphore, #tpu.memory_space<semaphore_mem>>) {add = true}
        %dma_wait3A_133 = arith.constant 0 : i32
        %dma_wait3A_134 = tpu.memref_slice %arg9[%run_scoped3A_118, %dma_wait3A_133] : memref<1x128xi32, #tpu.memory_space<vmem>> -> memref<1x128xi32, #tpu.memory_space<vmem>>
        %dma_wait3A_135 = tpu.memref_squeeze %dma_wait3A_134 : memref<1x128xi32, #tpu.memory_space<vmem>> -> memref<128xi32, #tpu.memory_space<vmem>>
        %dma_wait3A_136 = arith.constant 0 : i32
        %dma_wait3A_137 = arith.constant 0 : i32
        %dma_wait3A_138 = tpu.memref_slice %arg12[%dma_wait3A_136, %dma_wait3A_137] : memref<10256x128xf32, #tpu.memory_space<vmem_shared>> -> memref<10256x128xf32, #tpu.memory_space<vmem_shared>>
        tpu.wait_indirect_dma semaphore(%run_scoped3A_126 : memref<!tpu.dma_semaphore, #tpu.memory_space<semaphore_mem>>) src(%arg11 : memref<128x128xf32, #tpu.memory_space<vmem>>) dst(%dma_wait3A_138 : memref<10256x128xf32, #tpu.memory_space<vmem_shared>>)
        tpu.yield
      }) : () -> ()
      %add3A_119 = arith.constant 3 : i32
      %add3A_120 = arith.addi %mul3A_79, %add3A_119 : i32
      %lt3A_121 = arith.constant 80 : i32
      %lt3A_122 = arith.cmpi slt, %add3A_120, %lt3A_121 : i32
      %convert_element_type3A_123 = arith.extui %lt3A_122 : i1 to i32
      %cond3A_124 = arith.constant 0 : i32
      %cond3A_125 = arith.cmpi ne, %convert_element_type3A_123, %cond3A_124 : i32
      scf.if %cond3A_125 {
        %add3A_126 = arith.constant 3 : i32
        %add3A_127 = arith.addi %mul3A_79, %add3A_126 : i32
        %dma_start3A_128 = arith.constant 0 : i32
        %dma_start3A_129 = arith.constant 0 : i32
        %dma_start3A_130 = tpu.memref_slice %arg4[%add3A, %add3A_127, %dma_start3A_128, %dma_start3A_129] : memref<32x80x1x128xi32, #tpu.memory_space<hbm>> -> memref<1x1x1x128xi32, #tpu.memory_space<hbm>>
        %dma_start3A_131 = tpu.memref_squeeze %dma_start3A_130 : memref<1x1x1x128xi32, #tpu.memory_space<hbm>> -> memref<1x128xi32, #tpu.memory_space<hbm>>
        %dma_start3A_132 = arith.constant 0 : i32
        %dma_start3A_133 = arith.constant 0 : i32
        %dma_start3A_134 = tpu.memref_slice %arg4[%add3A, %add3A_127, %dma_start3A_132, %dma_start3A_133] : memref<32x80x1x128xi32, #tpu.memory_space<hbm>> -> memref<1x1x1x128xi32, #tpu.memory_space<hbm>>
        %dma_start3A_135 = tpu.memref_squeeze %dma_start3A_134 : memref<1x1x1x128xi32, #tpu.memory_space<hbm>> -> memref<1x128xi32, #tpu.memory_space<hbm>>
        tpu.enqueue_dma source(%dma_start3A_135 : memref<1x128xi32, #tpu.memory_space<hbm>>) target(%arg9 : memref<1x128xi32, #tpu.memory_space<vmem>>) target_semaphore(%arg16 : memref<!tpu.dma_semaphore, #tpu.memory_space<semaphore_mem>>)
        %add3A_136 = arith.constant 3 : i32
        %add3A_137 = arith.addi %mul3A_79, %add3A_136 : i32
        %dma_start3A_138 = arith.constant 0 : i32
        %dma_start3A_139 = tpu.memref_slice %arg7[%add3A_137, %dma_start3A_138] : memref<80x128xi32, #tpu.memory_space<vmem>> -> memref<1x128xi32, #tpu.memory_space<vmem>>
        %dma_start3A_140 = tpu.memref_squeeze %dma_start3A_139 : memref<1x128xi32, #tpu.memory_space<vmem>> -> memref<128xi32, #tpu.memory_space<vmem>>
        %dma_start3A_141 = arith.constant 0 : i32
        %dma_start3A_142 = arith.constant 0 : i32
        %dma_start3A_143 = tpu.memref_slice %arg2[%dma_start3A_141, %dma_start3A_142] : memref<10000x128xf32, #tpu.memory_space<hbm>> -> memref<10000x128xf32, #tpu.memory_space<hbm>>
        tpu.enqueue_indirect_dma source(%dma_start3A_143 : memref<10000x128xf32, #tpu.memory_space<hbm>>) target(%arg11 : memref<128x128xf32, #tpu.memory_space<vmem>>) offsets(%dma_start3A_140 : memref<128xi32, #tpu.memory_space<vmem>>) semaphore(%arg14 : memref<!tpu.dma_semaphore, #tpu.memory_space<semaphore_mem>>)
      } else {
      }
    }
    %scan3A_65 = arith.constant 40 : i32
    %barrier3A_66 = arith.constant 0 : index
    tpu.barrier barrier_id(%barrier3A_66)
    %lt3A_67 = arith.constant 15 : i32
    %lt3A_68 = arith.cmpi slt, %arg1, %lt3A_67 : i32
    %convert_element_type3A_69 = arith.extui %lt3A_68 : i1 to i32
    %cond3A_70 = arith.constant 0 : i32
    %cond3A_71 = arith.cmpi ne, %convert_element_type3A_69, %cond3A_70 : i32
    scf.if %cond3A_71 {
      "tpu.region"() ({
        %run_scoped3A = tpu.sem_alloc : memref<!tpu.dma_semaphore, #tpu.memory_space<semaphore_mem>>
        %dma_start3A_77 = arith.constant 0 : i32
        %dma_start3A_78 = tpu.memref_slice %arg6[%arg0, %mul3A_2, %dma_start3A_77] : memref<2x10000x128xf32, #tpu.memory_space<hbm>> -> memref<1x624x128xf32, #tpu.memory_space<hbm>>
        %dma_start3A_79 = tpu.memref_squeeze %dma_start3A_78 : memref<1x624x128xf32, #tpu.memory_space<hbm>> -> memref<624x128xf32, #tpu.memory_space<hbm>>
        %dma_start3A_80 = arith.constant 0 : i32
        %dma_start3A_81 = tpu.memref_slice %arg12[%mul3A_2, %dma_start3A_80] : memref<10256x128xf32, #tpu.memory_space<vmem_shared>> -> memref<624x128xf32, #tpu.memory_space<vmem_shared>>
        tpu.enqueue_dma source(%dma_start3A_81 : memref<624x128xf32, #tpu.memory_space<vmem_shared>>) target(%dma_start3A_79 : memref<624x128xf32, #tpu.memory_space<hbm>>) target_semaphore(%run_scoped3A : memref<!tpu.dma_semaphore, #tpu.memory_space<semaphore_mem>>)
        %dma_wait3A = arith.constant 0 : i32
        %dma_wait3A_82 = tpu.memref_slice %arg6[%arg0, %mul3A_2, %dma_wait3A] : memref<2x10000x128xf32, #tpu.memory_space<hbm>> -> memref<1x624x128xf32, #tpu.memory_space<hbm>>
        %dma_wait3A_83 = tpu.memref_squeeze %dma_wait3A_82 : memref<1x624x128xf32, #tpu.memory_space<hbm>> -> memref<624x128xf32, #tpu.memory_space<hbm>>
        %dma_wait3A_84 = arith.constant 0 : i32
        %dma_wait3A_85 = tpu.memref_slice %arg12[%mul3A_2, %dma_wait3A_84] : memref<10256x128xf32, #tpu.memory_space<vmem_shared>> -> memref<624x128xf32, #tpu.memory_space<vmem_shared>>
        tpu.wait_dma2 semaphore(%run_scoped3A : memref<!tpu.dma_semaphore, #tpu.memory_space<semaphore_mem>>) src(%dma_wait3A_85 : memref<624x128xf32, #tpu.memory_space<vmem_shared>>) dst(%dma_wait3A_83 : memref<624x128xf32, #tpu.memory_space<hbm>>)
        tpu.yield
      }) : () -> ()
    } else {
    }
    %eq3A_72 = arith.constant 15 : i32
    %eq3A_73 = arith.cmpi eq, %arg1, %eq3A_72 : i32
    %convert_element_type3A_74 = arith.extui %eq3A_73 : i1 to i32
    %cond3A_75 = arith.constant 0 : i32
    %cond3A_76 = arith.cmpi ne, %convert_element_type3A_74, %cond3A_75 : i32
    scf.if %cond3A_76 {
      "tpu.region"() ({
        %run_scoped3A = tpu.sem_alloc : memref<!tpu.dma_semaphore, #tpu.memory_space<semaphore_mem>>
        %dma_start3A_77 = arith.constant 9360 : i32
        %dma_start3A_78 = arith.constant 0 : i32
        %dma_start3A_79 = tpu.memref_slice %arg6[%arg0, %dma_start3A_77, %dma_start3A_78] : memref<2x10000x128xf32, #tpu.memory_space<hbm>> -> memref<1x640x128xf32, #tpu.memory_space<hbm>>
        %dma_start3A_80 = tpu.memref_squeeze %dma_start3A_79 : memref<1x640x128xf32, #tpu.memory_space<hbm>> -> memref<640x128xf32, #tpu.memory_space<hbm>>
        %dma_start3A_81 = arith.constant 9360 : i32
        %dma_start3A_82 = arith.constant 0 : i32
        %dma_start3A_83 = tpu.memref_slice %arg12[%dma_start3A_81, %dma_start3A_82] : memref<10256x128xf32, #tpu.memory_space<vmem_shared>> -> memref<640x128xf32, #tpu.memory_space<vmem_shared>>
        tpu.enqueue_dma source(%dma_start3A_83 : memref<640x128xf32, #tpu.memory_space<vmem_shared>>) target(%dma_start3A_80 : memref<640x128xf32, #tpu.memory_space<hbm>>) target_semaphore(%run_scoped3A : memref<!tpu.dma_semaphore, #tpu.memory_space<semaphore_mem>>)
        %dma_wait3A = arith.constant 9360 : i32
        %dma_wait3A_84 = arith.constant 0 : i32
        %dma_wait3A_85 = tpu.memref_slice %arg6[%arg0, %dma_wait3A, %dma_wait3A_84] : memref<2x10000x128xf32, #tpu.memory_space<hbm>> -> memref<1x640x128xf32, #tpu.memory_space<hbm>>
        %dma_wait3A_86 = tpu.memref_squeeze %dma_wait3A_85 : memref<1x640x128xf32, #tpu.memory_space<hbm>> -> memref<640x128xf32, #tpu.memory_space<hbm>>
        %dma_wait3A_87 = arith.constant 9360 : i32
        %dma_wait3A_88 = arith.constant 0 : i32
        %dma_wait3A_89 = tpu.memref_slice %arg12[%dma_wait3A_87, %dma_wait3A_88] : memref<10256x128xf32, #tpu.memory_space<vmem_shared>> -> memref<640x128xf32, #tpu.memory_space<vmem_shared>>
        tpu.wait_dma2 semaphore(%run_scoped3A : memref<!tpu.dma_semaphore, #tpu.memory_space<semaphore_mem>>) src(%dma_wait3A_89 : memref<640x128xf32, #tpu.memory_space<vmem_shared>>) dst(%dma_wait3A_86 : memref<640x128xf32, #tpu.memory_space<hbm>>)
        tpu.yield
      }) : () -> ()
    } else {
    }
    return
  }
}

#map = affine_map<(d0, d1) -> (0, 0)>
#map1 = affine_map<(d0, d1) -> (0, 0, 0)>
#map2 = affine_map<(d0, d1) -> (0, 0, 0, 0)>
module attributes {stable_mosaic.version = 14 : i64} {
  func.func @agg(%arg0: i32, %arg1: i32, %arg2: memref<10000x128xf32, #tpu.memory_space<hbm>>, %arg3: memref<32x80x128xi32, #tpu.memory_space<hbm>>, %arg4: memref<32x80x1x128xi32, #tpu.memory_space<hbm>>, %arg5: memref<10000x128xf32, #tpu.memory_space<hbm>>, %arg6: memref<2x10000x128xf32, #tpu.memory_space<hbm>>, %arg7: memref<80x128xi32, #tpu.memory_space<vmem>>, %arg8: memref<1x128xi32, #tpu.memory_space<vmem>>, %arg9: memref<1x128xi32, #tpu.memory_space<vmem>>, %arg10: memref<128x128xf32, #tpu.memory_space<vmem>>, %arg11: memref<128x128xf32, #tpu.memory_space<vmem>>, %arg12: memref<10256x128xf32, #tpu.memory_space<vmem_shared>>, %arg13: memref<!tpu.dma_semaphore, #tpu.memory_space<semaphore_mem>>, %arg14: memref<!tpu.dma_semaphore, #tpu.memory_space<semaphore_mem>>, %arg15: memref<!tpu.dma_semaphore, #tpu.memory_space<semaphore_mem>>, %arg16: memref<!tpu.dma_semaphore, #tpu.memory_space<semaphore_mem>>) attributes {dimension_semantics = [#tpu.dimension_semantics<core_parallel>, #tpu.dimension_semantics<subcore_parallel>], iteration_bounds = array<i64: 2, 16>, scalar_prefetch = 0 : i64, scratch_operands = 10 : i64, tpu.core_type = #tpu.core_type<sc_vector_subcore>, window_params = [{transform_indices = #map}, {transform_indices = #map1}, {transform_indices = #map2}, {transform_indices = #map}, {transform_indices = #map1}]} {
    %mul3A = arith.constant 2 : i32
    %mul3A_0 = arith.muli %arg1, %mul3A : i32
    %add3A = arith.addi %mul3A_0, %arg0 : i32
    %mul3A_1 = arith.constant 624 : i32
    %mul3A_2 = arith.muli %arg1, %mul3A_1 : i32
    "tpu.region"() ({
      %run_scoped3A = tpu.sem_alloc : memref<!tpu.dma_semaphore, #tpu.memory_space<semaphore_mem>>
      %dma_start3A_77 = arith.constant 0 : i32
      %dma_start3A_78 = arith.constant 0 : i32
      %dma_start3A_79 = tpu.memref_slice %arg3[%add3A, %dma_start3A_77, %dma_start3A_78] : memref<32x80x128xi32, #tpu.memory_space<hbm>> -> memref<1x80x128xi32, #tpu.memory_space<hbm>>
      %dma_start3A_80 = tpu.memref_squeeze %dma_start3A_79 : memref<1x80x128xi32, #tpu.memory_space<hbm>> -> memref<80x128xi32, #tpu.memory_space<hbm>>
      %dma_start3A_81 = arith.constant 0 : i32
      %dma_start3A_82 = arith.constant 0 : i32
      %dma_start3A_83 = tpu.memref_slice %arg3[%add3A, %dma_start3A_81, %dma_start3A_82] : memref<32x80x128xi32, #tpu.memory_space<hbm>> -> memref<1x80x128xi32, #tpu.memory_space<hbm>>
      %dma_start3A_84 = tpu.memref_squeeze %dma_start3A_83 : memref<1x80x128xi32, #tpu.memory_space<hbm>> -> memref<80x128xi32, #tpu.memory_space<hbm>>
      tpu.enqueue_dma source(%dma_start3A_84 : memref<80x128xi32, #tpu.memory_space<hbm>>) target(%arg7 : memref<80x128xi32, #tpu.memory_space<vmem>>) target_semaphore(%run_scoped3A : memref<!tpu.dma_semaphore, #tpu.memory_space<semaphore_mem>>)
      %dma_wait3A = arith.constant 0 : i32
      %dma_wait3A_85 = arith.constant 0 : i32
      %dma_wait3A_86 = tpu.memref_slice %arg3[%add3A, %dma_wait3A, %dma_wait3A_85] : memref<32x80x128xi32, #tpu.memory_space<hbm>> -> memref<1x80x128xi32, #tpu.memory_space<hbm>>
      %dma_wait3A_87 = tpu.memref_squeeze %dma_wait3A_86 : memref<1x80x128xi32, #tpu.memory_space<hbm>> -> memref<80x128xi32, #tpu.memory_space<hbm>>
      %dma_wait3A_88 = arith.constant 0 : i32
      %dma_wait3A_89 = arith.constant 0 : i32
      %dma_wait3A_90 = tpu.memref_slice %arg3[%add3A, %dma_wait3A_88, %dma_wait3A_89] : memref<32x80x128xi32, #tpu.memory_space<hbm>> -> memref<1x80x128xi32, #tpu.memory_space<hbm>>
      %dma_wait3A_91 = tpu.memref_squeeze %dma_wait3A_90 : memref<1x80x128xi32, #tpu.memory_space<hbm>> -> memref<80x128xi32, #tpu.memory_space<hbm>>
      tpu.wait_dma2 semaphore(%run_scoped3A : memref<!tpu.dma_semaphore, #tpu.memory_space<semaphore_mem>>) src(%dma_wait3A_91 : memref<80x128xi32, #tpu.memory_space<hbm>>) dst(%arg7 : memref<80x128xi32, #tpu.memory_space<vmem>>)
      tpu.yield
    }) : () -> ()
    %dma_start3A = arith.constant 0 : i32
    %dma_start3A_3 = arith.constant 0 : i32
    %dma_start3A_4 = arith.constant 0 : i32
    %dma_start3A_5 = tpu.memref_slice %arg4[%add3A, %dma_start3A, %dma_start3A_3, %dma_start3A_4] : memref<32x80x1x128xi32, #tpu.memory_space<hbm>> -> memref<1x1x1x128xi32, #tpu.memory_space<hbm>>
    %dma_start3A_6 = tpu.memref_squeeze %dma_start3A_5 : memref<1x1x1x128xi32, #tpu.memory_space<hbm>> -> memref<1x128xi32, #tpu.memory_space<hbm>>
    %dma_start3A_7 = arith.constant 0 : i32
    %dma_start3A_8 = arith.constant 0 : i32
    %dma_start3A_9 = tpu.memref_slice %arg4[%add3A, %dma_start3A, %dma_start3A_7, %dma_start3A_8] : memref<32x80x1x128xi32, #tpu.memory_space<hbm>> -> memref<1x1x1x128xi32, #tpu.memory_space<hbm>>
    %dma_start3A_10 = tpu.memref_squeeze %dma_start3A_9 : memref<1x1x1x128xi32, #tpu.memory_space<hbm>> -> memref<1x128xi32, #tpu.memory_space<hbm>>
    tpu.enqueue_dma source(%dma_start3A_10 : memref<1x128xi32, #tpu.memory_space<hbm>>) target(%arg8 : memref<1x128xi32, #tpu.memory_space<vmem>>) target_semaphore(%arg15 : memref<!tpu.dma_semaphore, #tpu.memory_space<semaphore_mem>>)
    %dma_start3A_11 = arith.constant 1 : i32
    %dma_start3A_12 = arith.constant 0 : i32
    %dma_start3A_13 = arith.constant 0 : i32
    %dma_start3A_14 = tpu.memref_slice %arg4[%add3A, %dma_start3A_11, %dma_start3A_12, %dma_start3A_13] : memref<32x80x1x128xi32, #tpu.memory_space<hbm>> -> memref<1x1x1x128xi32, #tpu.memory_space<hbm>>
    %dma_start3A_15 = tpu.memref_squeeze %dma_start3A_14 : memref<1x1x1x128xi32, #tpu.memory_space<hbm>> -> memref<1x128xi32, #tpu.memory_space<hbm>>
    %dma_start3A_16 = arith.constant 0 : i32
    %dma_start3A_17 = arith.constant 0 : i32
    %dma_start3A_18 = tpu.memref_slice %arg4[%add3A, %dma_start3A_11, %dma_start3A_16, %dma_start3A_17] : memref<32x80x1x128xi32, #tpu.memory_space<hbm>> -> memref<1x1x1x128xi32, #tpu.memory_space<hbm>>
    %dma_start3A_19 = tpu.memref_squeeze %dma_start3A_18 : memref<1x1x1x128xi32, #tpu.memory_space<hbm>> -> memref<1x128xi32, #tpu.memory_space<hbm>>
    tpu.enqueue_dma source(%dma_start3A_19 : memref<1x128xi32, #tpu.memory_space<hbm>>) target(%arg9 : memref<1x128xi32, #tpu.memory_space<vmem>>) target_semaphore(%arg16 : memref<!tpu.dma_semaphore, #tpu.memory_space<semaphore_mem>>)
    %dma_start3A_20 = arith.constant 0 : i32
    %dma_start3A_21 = arith.constant 0 : i32
    %dma_start3A_22 = tpu.memref_slice %arg7[%dma_start3A_20, %dma_start3A_21] : memref<80x128xi32, #tpu.memory_space<vmem>> -> memref<1x128xi32, #tpu.memory_space<vmem>>
    %dma_start3A_23 = tpu.memref_squeeze %dma_start3A_22 : memref<1x128xi32, #tpu.memory_space<vmem>> -> memref<128xi32, #tpu.memory_space<vmem>>
    %dma_start3A_24 = arith.constant 0 : i32
    %dma_start3A_25 = arith.constant 0 : i32
    %dma_start3A_26 = tpu.memref_slice %arg2[%dma_start3A_24, %dma_start3A_25] : memref<10000x128xf32, #tpu.memory_space<hbm>> -> memref<10000x128xf32, #tpu.memory_space<hbm>>
    tpu.enqueue_indirect_dma source(%dma_start3A_26 : memref<10000x128xf32, #tpu.memory_space<hbm>>) target(%arg10 : memref<128x128xf32, #tpu.memory_space<vmem>>) offsets(%dma_start3A_23 : memref<128xi32, #tpu.memory_space<vmem>>) semaphore(%arg13 : memref<!tpu.dma_semaphore, #tpu.memory_space<semaphore_mem>>)
    %dma_start3A_27 = arith.constant 1 : i32
    %dma_start3A_28 = arith.constant 0 : i32
    %dma_start3A_29 = tpu.memref_slice %arg7[%dma_start3A_27, %dma_start3A_28] : memref<80x128xi32, #tpu.memory_space<vmem>> -> memref<1x128xi32, #tpu.memory_space<vmem>>
    %dma_start3A_30 = tpu.memref_squeeze %dma_start3A_29 : memref<1x128xi32, #tpu.memory_space<vmem>> -> memref<128xi32, #tpu.memory_space<vmem>>
    %dma_start3A_31 = arith.constant 0 : i32
    %dma_start3A_32 = arith.constant 0 : i32
    %dma_start3A_33 = tpu.memref_slice %arg2[%dma_start3A_31, %dma_start3A_32] : memref<10000x128xf32, #tpu.memory_space<hbm>> -> memref<10000x128xf32, #tpu.memory_space<hbm>>
    tpu.enqueue_indirect_dma source(%dma_start3A_33 : memref<10000x128xf32, #tpu.memory_space<hbm>>) target(%arg11 : memref<128x128xf32, #tpu.memory_space<vmem>>) offsets(%dma_start3A_30 : memref<128xi32, #tpu.memory_space<vmem>>) semaphore(%arg14 : memref<!tpu.dma_semaphore, #tpu.memory_space<semaphore_mem>>)
    %lt3A = arith.constant 15 : i32
    %lt3A_34 = arith.cmpi slt, %arg1, %lt3A : i32
    %eq3A = arith.constant 0 : i32
    %eq3A_35 = arith.cmpi eq, %arg0, %eq3A : i32
    %and3A = arith.andi %lt3A_34, %eq3A_35 : i1
    %convert_element_type3A = arith.extui %and3A : i1 to i32
    %cond3A = arith.constant 0 : i32
    %cond3A_36 = arith.cmpi ne, %convert_element_type3A, %cond3A : i32
    scf.if %cond3A_36 {
      "tpu.region"() ({
        %run_scoped3A = tpu.sem_alloc : memref<!tpu.dma_semaphore, #tpu.memory_space<semaphore_mem>>
        %dma_start3A_77 = arith.constant 0 : i32
        %dma_start3A_78 = tpu.memref_slice %arg12[%mul3A_2, %dma_start3A_77] : memref<10256x128xf32, #tpu.memory_space<vmem_shared>> -> memref<624x128xf32, #tpu.memory_space<vmem_shared>>
        %dma_start3A_79 = arith.constant 0 : i32
        %dma_start3A_80 = tpu.memref_slice %arg2[%mul3A_2, %dma_start3A_79] : memref<10000x128xf32, #tpu.memory_space<hbm>> -> memref<624x128xf32, #tpu.memory_space<hbm>>
        tpu.enqueue_dma source(%dma_start3A_80 : memref<624x128xf32, #tpu.memory_space<hbm>>) target(%dma_start3A_78 : memref<624x128xf32, #tpu.memory_space<vmem_shared>>) target_semaphore(%run_scoped3A : memref<!tpu.dma_semaphore, #tpu.memory_space<semaphore_mem>>)
        %dma_wait3A = arith.constant 0 : i32
        %dma_wait3A_81 = tpu.memref_slice %arg12[%mul3A_2, %dma_wait3A] : memref<10256x128xf32, #tpu.memory_space<vmem_shared>> -> memref<624x128xf32, #tpu.memory_space<vmem_shared>>
        %dma_wait3A_82 = arith.constant 0 : i32
        %dma_wait3A_83 = tpu.memref_slice %arg2[%mul3A_2, %dma_wait3A_82] : memref<10000x128xf32, #tpu.memory_space<hbm>> -> memref<624x128xf32, #tpu.memory_space<hbm>>
        tpu.wait_dma2 semaphore(%run_scoped3A : memref<!tpu.dma_semaphore, #tpu.memory_space<semaphore_mem>>) src(%dma_wait3A_83 : memref<624x128xf32, #tpu.memory_space<hbm>>) dst(%dma_wait3A_81 : memref<624x128xf32, #tpu.memory_space<vmem_shared>>)
        tpu.yield
      }) : () -> ()
    } else {
    }
    %eq3A_37 = arith.constant 15 : i32
    %eq3A_38 = arith.cmpi eq, %arg1, %eq3A_37 : i32
    %eq3A_39 = arith.constant 0 : i32
    %eq3A_40 = arith.cmpi eq, %arg0, %eq3A_39 : i32
    %and3A_41 = arith.andi %eq3A_38, %eq3A_40 : i1
    %convert_element_type3A_42 = arith.extui %and3A_41 : i1 to i32
    %cond3A_43 = arith.constant 0 : i32
    %cond3A_44 = arith.cmpi ne, %convert_element_type3A_42, %cond3A_43 : i32
    scf.if %cond3A_44 {
      "tpu.region"() ({
        %run_scoped3A = tpu.sem_alloc : memref<!tpu.dma_semaphore, #tpu.memory_space<semaphore_mem>>
        %dma_start3A_77 = arith.constant 9360 : i32
        %dma_start3A_78 = arith.constant 0 : i32
        %dma_start3A_79 = tpu.memref_slice %arg12[%dma_start3A_77, %dma_start3A_78] : memref<10256x128xf32, #tpu.memory_space<vmem_shared>> -> memref<640x128xf32, #tpu.memory_space<vmem_shared>>
        %dma_start3A_80 = arith.constant 9360 : i32
        %dma_start3A_81 = arith.constant 0 : i32
        %dma_start3A_82 = tpu.memref_slice %arg2[%dma_start3A_80, %dma_start3A_81] : memref<10000x128xf32, #tpu.memory_space<hbm>> -> memref<640x128xf32, #tpu.memory_space<hbm>>
        tpu.enqueue_dma source(%dma_start3A_82 : memref<640x128xf32, #tpu.memory_space<hbm>>) target(%dma_start3A_79 : memref<640x128xf32, #tpu.memory_space<vmem_shared>>) target_semaphore(%run_scoped3A : memref<!tpu.dma_semaphore, #tpu.memory_space<semaphore_mem>>)
        %dma_wait3A = arith.constant 9360 : i32
        %dma_wait3A_83 = arith.constant 0 : i32
        %dma_wait3A_84 = tpu.memref_slice %arg12[%dma_wait3A, %dma_wait3A_83] : memref<10256x128xf32, #tpu.memory_space<vmem_shared>> -> memref<640x128xf32, #tpu.memory_space<vmem_shared>>
        %dma_wait3A_85 = arith.constant 9360 : i32
        %dma_wait3A_86 = arith.constant 0 : i32
        %dma_wait3A_87 = tpu.memref_slice %arg2[%dma_wait3A_85, %dma_wait3A_86] : memref<10000x128xf32, #tpu.memory_space<hbm>> -> memref<640x128xf32, #tpu.memory_space<hbm>>
        tpu.wait_dma2 semaphore(%run_scoped3A : memref<!tpu.dma_semaphore, #tpu.memory_space<semaphore_mem>>) src(%dma_wait3A_87 : memref<640x128xf32, #tpu.memory_space<hbm>>) dst(%dma_wait3A_84 : memref<640x128xf32, #tpu.memory_space<vmem_shared>>)
        tpu.yield
      }) : () -> ()
    } else {
    }
    %lt3A_45 = arith.constant 15 : i32
    %lt3A_46 = arith.cmpi slt, %arg1, %lt3A_45 : i32
    %eq3A_47 = arith.constant 1 : i32
    %eq3A_48 = arith.cmpi eq, %arg0, %eq3A_47 : i32
    %and3A_49 = arith.andi %lt3A_46, %eq3A_48 : i1
    %convert_element_type3A_50 = arith.extui %and3A_49 : i1 to i32
    %cond3A_51 = arith.constant 0 : i32
    %cond3A_52 = arith.cmpi ne, %convert_element_type3A_50, %cond3A_51 : i32
    scf.if %cond3A_52 {
      "tpu.region"() ({
        %run_scoped3A = tpu.sem_alloc : memref<!tpu.dma_semaphore, #tpu.memory_space<semaphore_mem>>
        %dma_start3A_77 = arith.constant 0 : i32
        %dma_start3A_78 = tpu.memref_slice %arg12[%mul3A_2, %dma_start3A_77] : memref<10256x128xf32, #tpu.memory_space<vmem_shared>> -> memref<624x128xf32, #tpu.memory_space<vmem_shared>>
        %dma_start3A_79 = arith.constant 0 : i32
        %dma_start3A_80 = tpu.memref_slice %arg5[%mul3A_2, %dma_start3A_79] : memref<10000x128xf32, #tpu.memory_space<hbm>> -> memref<624x128xf32, #tpu.memory_space<hbm>>
        tpu.enqueue_dma source(%dma_start3A_80 : memref<624x128xf32, #tpu.memory_space<hbm>>) target(%dma_start3A_78 : memref<624x128xf32, #tpu.memory_space<vmem_shared>>) target_semaphore(%run_scoped3A : memref<!tpu.dma_semaphore, #tpu.memory_space<semaphore_mem>>)
        %dma_wait3A = arith.constant 0 : i32
        %dma_wait3A_81 = tpu.memref_slice %arg12[%mul3A_2, %dma_wait3A] : memref<10256x128xf32, #tpu.memory_space<vmem_shared>> -> memref<624x128xf32, #tpu.memory_space<vmem_shared>>
        %dma_wait3A_82 = arith.constant 0 : i32
        %dma_wait3A_83 = tpu.memref_slice %arg5[%mul3A_2, %dma_wait3A_82] : memref<10000x128xf32, #tpu.memory_space<hbm>> -> memref<624x128xf32, #tpu.memory_space<hbm>>
        tpu.wait_dma2 semaphore(%run_scoped3A : memref<!tpu.dma_semaphore, #tpu.memory_space<semaphore_mem>>) src(%dma_wait3A_83 : memref<624x128xf32, #tpu.memory_space<hbm>>) dst(%dma_wait3A_81 : memref<624x128xf32, #tpu.memory_space<vmem_shared>>)
        tpu.yield
      }) : () -> ()
    } else {
    }
    %eq3A_53 = arith.constant 15 : i32
    %eq3A_54 = arith.cmpi eq, %arg1, %eq3A_53 : i32
    %eq3A_55 = arith.constant 1 : i32
    %eq3A_56 = arith.cmpi eq, %arg0, %eq3A_55 : i32
    %and3A_57 = arith.andi %eq3A_54, %eq3A_56 : i1
    %convert_element_type3A_58 = arith.extui %and3A_57 : i1 to i32
    %cond3A_59 = arith.constant 0 : i32
    %cond3A_60 = arith.cmpi ne, %convert_element_type3A_58, %cond3A_59 : i32
    scf.if %cond3A_60 {
      "tpu.region"() ({
        %run_scoped3A = tpu.sem_alloc : memref<!tpu.dma_semaphore, #tpu.memory_space<semaphore_mem>>
        %dma_start3A_77 = arith.constant 9360 : i32
        %dma_start3A_78 = arith.constant 0 : i32
        %dma_start3A_79 = tpu.memref_slice %arg12[%dma_start3A_77, %dma_start3A_78] : memref<10256x128xf32, #tpu.memory_space<vmem_shared>> -> memref<640x128xf32, #tpu.memory_space<vmem_shared>>
        %dma_start3A_80 = arith.constant 9360 : i32
        %dma_start3A_81 = arith.constant 0 : i32
        %dma_start3A_82 = tpu.memref_slice %arg5[%dma_start3A_80, %dma_start3A_81] : memref<10000x128xf32, #tpu.memory_space<hbm>> -> memref<640x128xf32, #tpu.memory_space<hbm>>
        tpu.enqueue_dma source(%dma_start3A_82 : memref<640x128xf32, #tpu.memory_space<hbm>>) target(%dma_start3A_79 : memref<640x128xf32, #tpu.memory_space<vmem_shared>>) target_semaphore(%run_scoped3A : memref<!tpu.dma_semaphore, #tpu.memory_space<semaphore_mem>>)
        %dma_wait3A = arith.constant 9360 : i32
        %dma_wait3A_83 = arith.constant 0 : i32
        %dma_wait3A_84 = tpu.memref_slice %arg12[%dma_wait3A, %dma_wait3A_83] : memref<10256x128xf32, #tpu.memory_space<vmem_shared>> -> memref<640x128xf32, #tpu.memory_space<vmem_shared>>
        %dma_wait3A_85 = arith.constant 9360 : i32
        %dma_wait3A_86 = arith.constant 0 : i32
        %dma_wait3A_87 = tpu.memref_slice %arg5[%dma_wait3A_85, %dma_wait3A_86] : memref<10000x128xf32, #tpu.memory_space<hbm>> -> memref<640x128xf32, #tpu.memory_space<hbm>>
        tpu.wait_dma2 semaphore(%run_scoped3A : memref<!tpu.dma_semaphore, #tpu.memory_space<semaphore_mem>>) src(%dma_wait3A_87 : memref<640x128xf32, #tpu.memory_space<hbm>>) dst(%dma_wait3A_84 : memref<640x128xf32, #tpu.memory_space<vmem_shared>>)
        tpu.yield
      }) : () -> ()
    } else {
    }
    %barrier3A = arith.constant 0 : index
    tpu.barrier barrier_id(%barrier3A)
    %scan3A = arith.constant 0 : i32
    %scan3A_61 = arith.constant 0 : i32
    %scan3A_62 = arith.constant 40 : i32
    %scan3A_63 = arith.addi %scan3A_61, %scan3A_62 : i32
    %scan3A_64 = arith.constant 1 : i32
    scf.for %scan3A_77 = %scan3A_61 to %scan3A_63 step %scan3A_64  : i32 {
      %mul3A_78 = arith.constant 2 : i32
      %mul3A_79 = arith.muli %mul3A_78, %scan3A_77 : i32
      %dma_wait3A = arith.constant 0 : i32
      %dma_wait3A_80 = arith.constant 0 : i32
      %dma_wait3A_81 = tpu.memref_slice %arg4[%add3A, %mul3A_79, %dma_wait3A, %dma_wait3A_80] : memref<32x80x1x128xi32, #tpu.memory_space<hbm>> -> memref<1x1x1x128xi32, #tpu.memory_space<hbm>>
      %dma_wait3A_82 = tpu.memref_squeeze %dma_wait3A_81 : memref<1x1x1x128xi32, #tpu.memory_space<hbm>> -> memref<1x128xi32, #tpu.memory_space<hbm>>
      %dma_wait3A_83 = arith.constant 0 : i32
      %dma_wait3A_84 = arith.constant 0 : i32
      %dma_wait3A_85 = tpu.memref_slice %arg4[%add3A, %mul3A_79, %dma_wait3A_83, %dma_wait3A_84] : memref<32x80x1x128xi32, #tpu.memory_space<hbm>> -> memref<1x1x1x128xi32, #tpu.memory_space<hbm>>
      %dma_wait3A_86 = tpu.memref_squeeze %dma_wait3A_85 : memref<1x1x1x128xi32, #tpu.memory_space<hbm>> -> memref<1x128xi32, #tpu.memory_space<hbm>>
      tpu.wait_dma2 semaphore(%arg15 : memref<!tpu.dma_semaphore, #tpu.memory_space<semaphore_mem>>) src(%dma_wait3A_86 : memref<1x128xi32, #tpu.memory_space<hbm>>) dst(%arg8 : memref<1x128xi32, #tpu.memory_space<vmem>>)
      %dma_wait3A_87 = arith.constant 0 : i32
      %dma_wait3A_88 = tpu.memref_slice %arg7[%mul3A_79, %dma_wait3A_87] : memref<80x128xi32, #tpu.memory_space<vmem>> -> memref<1x128xi32, #tpu.memory_space<vmem>>
      %dma_wait3A_89 = tpu.memref_squeeze %dma_wait3A_88 : memref<1x128xi32, #tpu.memory_space<vmem>> -> memref<128xi32, #tpu.memory_space<vmem>>
      %dma_wait3A_90 = arith.constant 0 : i32
      %dma_wait3A_91 = arith.constant 0 : i32
      %dma_wait3A_92 = tpu.memref_slice %arg2[%dma_wait3A_90, %dma_wait3A_91] : memref<10000x128xf32, #tpu.memory_space<hbm>> -> memref<10000x128xf32, #tpu.memory_space<hbm>>
      tpu.wait_indirect_dma semaphore(%arg13 : memref<!tpu.dma_semaphore, #tpu.memory_space<semaphore_mem>>) src(%dma_wait3A_92 : memref<10000x128xf32, #tpu.memory_space<hbm>>) dst(%arg10 : memref<128x128xf32, #tpu.memory_space<vmem>>)
      %run_scoped3A = arith.constant 0 : i32
      "tpu.region"() ({
        %run_scoped3A_126 = tpu.sem_alloc : memref<!tpu.dma_semaphore, #tpu.memory_space<semaphore_mem>>
        %dma_start3A_127 = arith.constant 0 : i32
        %dma_start3A_128 = tpu.memref_slice %arg8[%run_scoped3A, %dma_start3A_127] : memref<1x128xi32, #tpu.memory_space<vmem>> -> memref<1x128xi32, #tpu.memory_space<vmem>>
        %dma_start3A_129 = tpu.memref_squeeze %dma_start3A_128 : memref<1x128xi32, #tpu.memory_space<vmem>> -> memref<128xi32, #tpu.memory_space<vmem>>
        %dma_start3A_130 = arith.constant 0 : i32
        %dma_start3A_131 = arith.constant 0 : i32
        %dma_start3A_132 = tpu.memref_slice %arg12[%dma_start3A_130, %dma_start3A_131] : memref<10256x128xf32, #tpu.memory_space<vmem_shared>> -> memref<10256x128xf32, #tpu.memory_space<vmem_shared>>
        tpu.enqueue_indirect_dma source(%arg10 : memref<128x128xf32, #tpu.memory_space<vmem>>) target(%dma_start3A_132 : memref<10256x128xf32, #tpu.memory_space<vmem_shared>>) offsets(%dma_start3A_129 : memref<128xi32, #tpu.memory_space<vmem>>) semaphore(%run_scoped3A_126 : memref<!tpu.dma_semaphore, #tpu.memory_space<semaphore_mem>>) {add = true}
        %dma_wait3A_133 = arith.constant 0 : i32
        %dma_wait3A_134 = tpu.memref_slice %arg8[%run_scoped3A, %dma_wait3A_133] : memref<1x128xi32, #tpu.memory_space<vmem>> -> memref<1x128xi32, #tpu.memory_space<vmem>>
        %dma_wait3A_135 = tpu.memref_squeeze %dma_wait3A_134 : memref<1x128xi32, #tpu.memory_space<vmem>> -> memref<128xi32, #tpu.memory_space<vmem>>
        %dma_wait3A_136 = arith.constant 0 : i32
        %dma_wait3A_137 = arith.constant 0 : i32
        %dma_wait3A_138 = tpu.memref_slice %arg12[%dma_wait3A_136, %dma_wait3A_137] : memref<10256x128xf32, #tpu.memory_space<vmem_shared>> -> memref<10256x128xf32, #tpu.memory_space<vmem_shared>>
        tpu.wait_indirect_dma semaphore(%run_scoped3A_126 : memref<!tpu.dma_semaphore, #tpu.memory_space<semaphore_mem>>) src(%arg10 : memref<128x128xf32, #tpu.memory_space<vmem>>) dst(%dma_wait3A_138 : memref<10256x128xf32, #tpu.memory_space<vmem_shared>>)
        tpu.yield
      }) : () -> ()
      %add3A_93 = arith.constant 2 : i32
      %add3A_94 = arith.addi %mul3A_79, %add3A_93 : i32
      %lt3A_95 = arith.constant 80 : i32
      %lt3A_96 = arith.cmpi slt, %add3A_94, %lt3A_95 : i32
      %convert_element_type3A_97 = arith.extui %lt3A_96 : i1 to i32
      %cond3A_98 = arith.constant 0 : i32
      %cond3A_99 = arith.cmpi ne, %convert_element_type3A_97, %cond3A_98 : i32
      scf.if %cond3A_99 {
        %add3A_126 = arith.constant 2 : i32
        %add3A_127 = arith.addi %mul3A_79, %add3A_126 : i32
        %dma_start3A_128 = arith.constant 0 : i32
        %dma_start3A_129 = arith.constant 0 : i32
        %dma_start3A_130 = tpu.memref_slice %arg4[%add3A, %add3A_127, %dma_start3A_128, %dma_start3A_129] : memref<32x80x1x128xi32, #tpu.memory_space<hbm>> -> memref<1x1x1x128xi32, #tpu.memory_space<hbm>>
        %dma_start3A_131 = tpu.memref_squeeze %dma_start3A_130 : memref<1x1x1x128xi32, #tpu.memory_space<hbm>> -> memref<1x128xi32, #tpu.memory_space<hbm>>
        %dma_start3A_132 = arith.constant 0 : i32
        %dma_start3A_133 = arith.constant 0 : i32
        %dma_start3A_134 = tpu.memref_slice %arg4[%add3A, %add3A_127, %dma_start3A_132, %dma_start3A_133] : memref<32x80x1x128xi32, #tpu.memory_space<hbm>> -> memref<1x1x1x128xi32, #tpu.memory_space<hbm>>
        %dma_start3A_135 = tpu.memref_squeeze %dma_start3A_134 : memref<1x1x1x128xi32, #tpu.memory_space<hbm>> -> memref<1x128xi32, #tpu.memory_space<hbm>>
        tpu.enqueue_dma source(%dma_start3A_135 : memref<1x128xi32, #tpu.memory_space<hbm>>) target(%arg8 : memref<1x128xi32, #tpu.memory_space<vmem>>) target_semaphore(%arg15 : memref<!tpu.dma_semaphore, #tpu.memory_space<semaphore_mem>>)
        %add3A_136 = arith.constant 2 : i32
        %add3A_137 = arith.addi %mul3A_79, %add3A_136 : i32
        %dma_start3A_138 = arith.constant 0 : i32
        %dma_start3A_139 = tpu.memref_slice %arg7[%add3A_137, %dma_start3A_138] : memref<80x128xi32, #tpu.memory_space<vmem>> -> memref<1x128xi32, #tpu.memory_space<vmem>>
        %dma_start3A_140 = tpu.memref_squeeze %dma_start3A_139 : memref<1x128xi32, #tpu.memory_space<vmem>> -> memref<128xi32, #tpu.memory_space<vmem>>
        %dma_start3A_141 = arith.constant 0 : i32
        %dma_start3A_142 = arith.constant 0 : i32
        %dma_start3A_143 = tpu.memref_slice %arg2[%dma_start3A_141, %dma_start3A_142] : memref<10000x128xf32, #tpu.memory_space<hbm>> -> memref<10000x128xf32, #tpu.memory_space<hbm>>
        tpu.enqueue_indirect_dma source(%dma_start3A_143 : memref<10000x128xf32, #tpu.memory_space<hbm>>) target(%arg10 : memref<128x128xf32, #tpu.memory_space<vmem>>) offsets(%dma_start3A_140 : memref<128xi32, #tpu.memory_space<vmem>>) semaphore(%arg13 : memref<!tpu.dma_semaphore, #tpu.memory_space<semaphore_mem>>)
      } else {
      }
      %add3A_100 = arith.constant 1 : i32
      %add3A_101 = arith.addi %mul3A_79, %add3A_100 : i32
      %dma_wait3A_102 = arith.constant 0 : i32
      %dma_wait3A_103 = arith.constant 0 : i32
      %dma_wait3A_104 = tpu.memref_slice %arg4[%add3A, %add3A_101, %dma_wait3A_102, %dma_wait3A_103] : memref<32x80x1x128xi32, #tpu.memory_space<hbm>> -> memref<1x1x1x128xi32, #tpu.memory_space<hbm>>
      %dma_wait3A_105 = tpu.memref_squeeze %dma_wait3A_104 : memref<1x1x1x128xi32, #tpu.memory_space<hbm>> -> memref<1x128xi32, #tpu.memory_space<hbm>>
      %dma_wait3A_106 = arith.constant 0 : i32
      %dma_wait3A_107 = arith.constant 0 : i32
      %dma_wait3A_108 = tpu.memref_slice %arg4[%add3A, %add3A_101, %dma_wait3A_106, %dma_wait3A_107] : memref<32x80x1x128xi32, #tpu.memory_space<hbm>> -> memref<1x1x1x128xi32, #tpu.memory_space<hbm>>
      %dma_wait3A_109 = tpu.memref_squeeze %dma_wait3A_108 : memref<1x1x1x128xi32, #tpu.memory_space<hbm>> -> memref<1x128xi32, #tpu.memory_space<hbm>>
      tpu.wait_dma2 semaphore(%arg16 : memref<!tpu.dma_semaphore, #tpu.memory_space<semaphore_mem>>) src(%dma_wait3A_109 : memref<1x128xi32, #tpu.memory_space<hbm>>) dst(%arg9 : memref<1x128xi32, #tpu.memory_space<vmem>>)
      %add3A_110 = arith.constant 1 : i32
      %add3A_111 = arith.addi %mul3A_79, %add3A_110 : i32
      %dma_wait3A_112 = arith.constant 0 : i32
      %dma_wait3A_113 = tpu.memref_slice %arg7[%add3A_111, %dma_wait3A_112] : memref<80x128xi32, #tpu.memory_space<vmem>> -> memref<1x128xi32, #tpu.memory_space<vmem>>
      %dma_wait3A_114 = tpu.memref_squeeze %dma_wait3A_113 : memref<1x128xi32, #tpu.memory_space<vmem>> -> memref<128xi32, #tpu.memory_space<vmem>>
      %dma_wait3A_115 = arith.constant 0 : i32
      %dma_wait3A_116 = arith.constant 0 : i32
      %dma_wait3A_117 = tpu.memref_slice %arg2[%dma_wait3A_115, %dma_wait3A_116] : memref<10000x128xf32, #tpu.memory_space<hbm>> -> memref<10000x128xf32, #tpu.memory_space<hbm>>
      tpu.wait_indirect_dma semaphore(%arg14 : memref<!tpu.dma_semaphore, #tpu.memory_space<semaphore_mem>>) src(%dma_wait3A_117 : memref<10000x128xf32, #tpu.memory_space<hbm>>) dst(%arg11 : memref<128x128xf32, #tpu.memory_space<vmem>>)
      %run_scoped3A_118 = arith.constant 0 : i32
      "tpu.region"() ({
        %run_scoped3A_126 = tpu.sem_alloc : memref<!tpu.dma_semaphore, #tpu.memory_space<semaphore_mem>>
        %dma_start3A_127 = arith.constant 0 : i32
        %dma_start3A_128 = tpu.memref_slice %arg9[%run_scoped3A_118, %dma_start3A_127] : memref<1x128xi32, #tpu.memory_space<vmem>> -> memref<1x128xi32, #tpu.memory_space<vmem>>
        %dma_start3A_129 = tpu.memref_squeeze %dma_start3A_128 : memref<1x128xi32, #tpu.memory_space<vmem>> -> memref<128xi32, #tpu.memory_space<vmem>>
        %dma_start3A_130 = arith.constant 0 : i32
        %dma_start3A_131 = arith.constant 0 : i32
        %dma_start3A_132 = tpu.memref_slice %arg12[%dma_start3A_130, %dma_start3A_131] : memref<10256x128xf32, #tpu.memory_space<vmem_shared>> -> memref<10256x128xf32, #tpu.memory_space<vmem_shared>>
        tpu.enqueue_indirect_dma source(%arg11 : memref<128x128xf32, #tpu.memory_space<vmem>>) target(%dma_start3A_132 : memref<10256x128xf32, #tpu.memory_space<vmem_shared>>) offsets(%dma_start3A_129 : memref<128xi32, #tpu.memory_space<vmem>>) semaphore(%run_scoped3A_126 : memref<!tpu.dma_semaphore, #tpu.memory_space<semaphore_mem>>) {add = true}
        %dma_wait3A_133 = arith.constant 0 : i32
        %dma_wait3A_134 = tpu.memref_slice %arg9[%run_scoped3A_118, %dma_wait3A_133] : memref<1x128xi32, #tpu.memory_space<vmem>> -> memref<1x128xi32, #tpu.memory_space<vmem>>
        %dma_wait3A_135 = tpu.memref_squeeze %dma_wait3A_134 : memref<1x128xi32, #tpu.memory_space<vmem>> -> memref<128xi32, #tpu.memory_space<vmem>>
        %dma_wait3A_136 = arith.constant 0 : i32
        %dma_wait3A_137 = arith.constant 0 : i32
        %dma_wait3A_138 = tpu.memref_slice %arg12[%dma_wait3A_136, %dma_wait3A_137] : memref<10256x128xf32, #tpu.memory_space<vmem_shared>> -> memref<10256x128xf32, #tpu.memory_space<vmem_shared>>
        tpu.wait_indirect_dma semaphore(%run_scoped3A_126 : memref<!tpu.dma_semaphore, #tpu.memory_space<semaphore_mem>>) src(%arg11 : memref<128x128xf32, #tpu.memory_space<vmem>>) dst(%dma_wait3A_138 : memref<10256x128xf32, #tpu.memory_space<vmem_shared>>)
        tpu.yield
      }) : () -> ()
      %add3A_119 = arith.constant 3 : i32
      %add3A_120 = arith.addi %mul3A_79, %add3A_119 : i32
      %lt3A_121 = arith.constant 80 : i32
      %lt3A_122 = arith.cmpi slt, %add3A_120, %lt3A_121 : i32
      %convert_element_type3A_123 = arith.extui %lt3A_122 : i1 to i32
      %cond3A_124 = arith.constant 0 : i32
      %cond3A_125 = arith.cmpi ne, %convert_element_type3A_123, %cond3A_124 : i32
      scf.if %cond3A_125 {
        %add3A_126 = arith.constant 3 : i32
        %add3A_127 = arith.addi %mul3A_79, %add3A_126 : i32
        %dma_start3A_128 = arith.constant 0 : i32
        %dma_start3A_129 = arith.constant 0 : i32
        %dma_start3A_130 = tpu.memref_slice %arg4[%add3A, %add3A_127, %dma_start3A_128, %dma_start3A_129] : memref<32x80x1x128xi32, #tpu.memory_space<hbm>> -> memref<1x1x1x128xi32, #tpu.memory_space<hbm>>
        %dma_start3A_131 = tpu.memref_squeeze %dma_start3A_130 : memref<1x1x1x128xi32, #tpu.memory_space<hbm>> -> memref<1x128xi32, #tpu.memory_space<hbm>>
        %dma_start3A_132 = arith.constant 0 : i32
        %dma_start3A_133 = arith.constant 0 : i32
        %dma_start3A_134 = tpu.memref_slice %arg4[%add3A, %add3A_127, %dma_start3A_132, %dma_start3A_133] : memref<32x80x1x128xi32, #tpu.memory_space<hbm>> -> memref<1x1x1x128xi32, #tpu.memory_space<hbm>>
        %dma_start3A_135 = tpu.memref_squeeze %dma_start3A_134 : memref<1x1x1x128xi32, #tpu.memory_space<hbm>> -> memref<1x128xi32, #tpu.memory_space<hbm>>
        tpu.enqueue_dma source(%dma_start3A_135 : memref<1x128xi32, #tpu.memory_space<hbm>>) target(%arg9 : memref<1x128xi32, #tpu.memory_space<vmem>>) target_semaphore(%arg16 : memref<!tpu.dma_semaphore, #tpu.memory_space<semaphore_mem>>)
        %add3A_136 = arith.constant 3 : i32
        %add3A_137 = arith.addi %mul3A_79, %add3A_136 : i32
        %dma_start3A_138 = arith.constant 0 : i32
        %dma_start3A_139 = tpu.memref_slice %arg7[%add3A_137, %dma_start3A_138] : memref<80x128xi32, #tpu.memory_space<vmem>> -> memref<1x128xi32, #tpu.memory_space<vmem>>
        %dma_start3A_140 = tpu.memref_squeeze %dma_start3A_139 : memref<1x128xi32, #tpu.memory_space<vmem>> -> memref<128xi32, #tpu.memory_space<vmem>>
        %dma_start3A_141 = arith.constant 0 : i32
        %dma_start3A_142 = arith.constant 0 : i32
        %dma_start3A_143 = tpu.memref_slice %arg2[%dma_start3A_141, %dma_start3A_142] : memref<10000x128xf32, #tpu.memory_space<hbm>> -> memref<10000x128xf32, #tpu.memory_space<hbm>>
        tpu.enqueue_indirect_dma source(%dma_start3A_143 : memref<10000x128xf32, #tpu.memory_space<hbm>>) target(%arg11 : memref<128x128xf32, #tpu.memory_space<vmem>>) offsets(%dma_start3A_140 : memref<128xi32, #tpu.memory_space<vmem>>) semaphore(%arg14 : memref<!tpu.dma_semaphore, #tpu.memory_space<semaphore_mem>>)
      } else {
      }
    }
    %scan3A_65 = arith.constant 40 : i32
    %barrier3A_66 = arith.constant 0 : index
    tpu.barrier barrier_id(%barrier3A_66)
    %lt3A_67 = arith.constant 15 : i32
    %lt3A_68 = arith.cmpi slt, %arg1, %lt3A_67 : i32
    %convert_element_type3A_69 = arith.extui %lt3A_68 : i1 to i32
    %cond3A_70 = arith.constant 0 : i32
    %cond3A_71 = arith.cmpi ne, %convert_element_type3A_69, %cond3A_70 : i32
    scf.if %cond3A_71 {
      "tpu.region"() ({
        %run_scoped3A = tpu.sem_alloc : memref<!tpu.dma_semaphore, #tpu.memory_space<semaphore_mem>>
        %dma_start3A_77 = arith.constant 0 : i32
        %dma_start3A_78 = tpu.memref_slice %arg6[%arg0, %mul3A_2, %dma_start3A_77] : memref<2x10000x128xf32, #tpu.memory_space<hbm>> -> memref<1x624x128xf32, #tpu.memory_space<hbm>>
        %dma_start3A_79 = tpu.memref_squeeze %dma_start3A_78 : memref<1x624x128xf32, #tpu.memory_space<hbm>> -> memref<624x128xf32, #tpu.memory_space<hbm>>
        %dma_start3A_80 = arith.constant 0 : i32
        %dma_start3A_81 = tpu.memref_slice %arg12[%mul3A_2, %dma_start3A_80] : memref<10256x128xf32, #tpu.memory_space<vmem_shared>> -> memref<624x128xf32, #tpu.memory_space<vmem_shared>>
        tpu.enqueue_dma source(%dma_start3A_81 : memref<624x128xf32, #tpu.memory_space<vmem_shared>>) target(%dma_start3A_79 : memref<624x128xf32, #tpu.memory_space<hbm>>) target_semaphore(%run_scoped3A : memref<!tpu.dma_semaphore, #tpu.memory_space<semaphore_mem>>)
        %dma_wait3A = arith.constant 0 : i32
        %dma_wait3A_82 = tpu.memref_slice %arg6[%arg0, %mul3A_2, %dma_wait3A] : memref<2x10000x128xf32, #tpu.memory_space<hbm>> -> memref<1x624x128xf32, #tpu.memory_space<hbm>>
        %dma_wait3A_83 = tpu.memref_squeeze %dma_wait3A_82 : memref<1x624x128xf32, #tpu.memory_space<hbm>> -> memref<624x128xf32, #tpu.memory_space<hbm>>
        %dma_wait3A_84 = arith.constant 0 : i32
        %dma_wait3A_85 = tpu.memref_slice %arg12[%mul3A_2, %dma_wait3A_84] : memref<10256x128xf32, #tpu.memory_space<vmem_shared>> -> memref<624x128xf32, #tpu.memory_space<vmem_shared>>
        tpu.wait_dma2 semaphore(%run_scoped3A : memref<!tpu.dma_semaphore, #tpu.memory_space<semaphore_mem>>) src(%dma_wait3A_85 : memref<624x128xf32, #tpu.memory_space<vmem_shared>>) dst(%dma_wait3A_83 : memref<624x128xf32, #tpu.memory_space<hbm>>)
        tpu.yield
      }) : () -> ()
    } else {
    }
    %eq3A_72 = arith.constant 15 : i32
    %eq3A_73 = arith.cmpi eq, %arg1, %eq3A_72 : i32
    %convert_element_type3A_74 = arith.extui %eq3A_73 : i1 to i32
    %cond3A_75 = arith.constant 0 : i32
    %cond3A_76 = arith.cmpi ne, %convert_element_type3A_74, %cond3A_75 : i32
    scf.if %cond3A_76 {
      "tpu.region"() ({
        %run_scoped3A = tpu.sem_alloc : memref<!tpu.dma_semaphore, #tpu.memory_space<semaphore_mem>>
        %dma_start3A_77 = arith.constant 9360 : i32
        %dma_start3A_78 = arith.constant 0 : i32
        %dma_start3A_79 = tpu.memref_slice %arg6[%arg0, %dma_start3A_77, %dma_start3A_78] : memref<2x10000x128xf32, #tpu.memory_space<hbm>> -> memref<1x640x128xf32, #tpu.memory_space<hbm>>
        %dma_start3A_80 = tpu.memref_squeeze %dma_start3A_79 : memref<1x640x128xf32, #tpu.memory_space<hbm>> -> memref<640x128xf32, #tpu.memory_space<hbm>>
        %dma_start3A_81 = arith.constant 9360 : i32
        %dma_start3A_82 = arith.constant 0 : i32
        %dma_start3A_83 = tpu.memref_slice %arg12[%dma_start3A_81, %dma_start3A_82] : memref<10256x128xf32, #tpu.memory_space<vmem_shared>> -> memref<640x128xf32, #tpu.memory_space<vmem_shared>>
        tpu.enqueue_dma source(%dma_start3A_83 : memref<640x128xf32, #tpu.memory_space<vmem_shared>>) target(%dma_start3A_80 : memref<640x128xf32, #tpu.memory_space<hbm>>) target_semaphore(%run_scoped3A : memref<!tpu.dma_semaphore, #tpu.memory_space<semaphore_mem>>)
        %dma_wait3A = arith.constant 9360 : i32
        %dma_wait3A_84 = arith.constant 0 : i32
        %dma_wait3A_85 = tpu.memref_slice %arg6[%arg0, %dma_wait3A, %dma_wait3A_84] : memref<2x10000x128xf32, #tpu.memory_space<hbm>> -> memref<1x640x128xf32, #tpu.memory_space<hbm>>
        %dma_wait3A_86 = tpu.memref_squeeze %dma_wait3A_85 : memref<1x640x128xf32, #tpu.memory_space<hbm>> -> memref<640x128xf32, #tpu.memory_space<hbm>>
        %dma_wait3A_87 = arith.constant 9360 : i32
        %dma_wait3A_88 = arith.constant 0 : i32
        %dma_wait3A_89 = tpu.memref_slice %arg12[%dma_wait3A_87, %dma_wait3A_88] : memref<10256x128xf32, #tpu.memory_space<vmem_shared>> -> memref<640x128xf32, #tpu.memory_space<vmem_shared>>
        tpu.wait_dma2 semaphore(%run_scoped3A : memref<!tpu.dma_semaphore, #tpu.memory_space<semaphore_mem>>) src(%dma_wait3A_89 : memref<640x128xf32, #tpu.memory_space<vmem_shared>>) dst(%dma_wait3A_86 : memref<640x128xf32, #tpu.memory_space<hbm>>)
        tpu.yield
      }) : () -> ()
    } else {
    }
    return
  }
}

module attributes {stable_mosaic.version = 14 : i64} {
  func.func @_tc_final_body(%arg0: i32, %arg1: memref<2x5000x128xf32, #tpu.memory_space<vmem>>, %arg2: memref<128x128xf32, #tpu.memory_space<vmem>>, %arg3: memref<1x128xf32, #tpu.memory_space<vmem>>, %arg4: memref<128x128xf32, #tpu.memory_space<vmem>>, %arg5: memref<1x128xf32, #tpu.memory_space<vmem>>, %arg6: memref<128x128xf32, #tpu.memory_space<vmem>>, %arg7: memref<1x128xf32, #tpu.memory_space<vmem>>, %arg8: memref<128x128xf32, #tpu.memory_space<vmem>>, %arg9: memref<1x128xf32, #tpu.memory_space<vmem>>, %arg10: memref<5000x128xf32, #tpu.memory_space<vmem>>) attributes {dimension_semantics = [#tpu.dimension_semantics<arbitrary>], iteration_bounds = array<i64: 2>, scalar_prefetch = 0 : i64, scratch_operands = 0 : i64, tpu.core_type = #tpu.core_type<tc>, window_params = [{transform_indices = @transform_0, window_bounds = array<i64: 2, 5000, 128>}, {pipeline_mode = #tpu.pipeline_mode<synchronous>, transform_indices = @transform_1, window_bounds = array<i64: 128, 128>}, {pipeline_mode = #tpu.pipeline_mode<synchronous>, transform_indices = @transform_2, window_bounds = array<i64: 1, 128>}, {pipeline_mode = #tpu.pipeline_mode<synchronous>, transform_indices = @transform_3, window_bounds = array<i64: 128, 128>}, {pipeline_mode = #tpu.pipeline_mode<synchronous>, transform_indices = @transform_4, window_bounds = array<i64: 1, 128>}, {pipeline_mode = #tpu.pipeline_mode<synchronous>, transform_indices = @transform_5, window_bounds = array<i64: 128, 128>}, {pipeline_mode = #tpu.pipeline_mode<synchronous>, transform_indices = @transform_6, window_bounds = array<i64: 1, 128>}, {pipeline_mode = #tpu.pipeline_mode<synchronous>, transform_indices = @transform_7, window_bounds = array<i64: 128, 128>}, {pipeline_mode = #tpu.pipeline_mode<synchronous>, transform_indices = @transform_8, window_bounds = array<i64: 1, 128>}, {transform_indices = @transform_9, window_bounds = array<i64: 5000, 128>}]} {
    %get3A = arith.constant 0 : index
    %get3A_0 = arith.constant 0 : index
    %get3A_1 = arith.constant 0 : index
    %get3A_2 = vector.load %arg1[%get3A, %get3A_0, %get3A_1] : memref<2x5000x128xf32, #tpu.memory_space<vmem>>, vector<1x5000x128xf32>
    %get3A_3 = vector.shape_cast %get3A_2 : vector<1x5000x128xf32> to vector<5000x128xf32>
    %get3A_4 = arith.constant 1 : index
    %get3A_5 = arith.constant 0 : index
    %get3A_6 = arith.constant 0 : index
    %get3A_7 = vector.load %arg1[%get3A_4, %get3A_5, %get3A_6] : memref<2x5000x128xf32, #tpu.memory_space<vmem>>, vector<1x5000x128xf32>
    %get3A_8 = vector.shape_cast %get3A_7 : vector<1x5000x128xf32> to vector<5000x128xf32>
    %add3A = arith.addf %get3A_3, %get3A_8 : vector<5000x128xf32>
    %get3A_9 = arith.constant 0 : index
    %get3A_10 = arith.constant 0 : index
    %get3A_11 = vector.load %arg2[%get3A_9, %get3A_10] : memref<128x128xf32, #tpu.memory_space<vmem>>, vector<128x128xf32>
    %dot_general3A = arith.constant dense<0.000000e+00> : vector<5000x128xf32>
    %dot_general3A_12 = tpu.matmul %add3A, %get3A_11, %dot_general3A {dimension_numbers = #tpu.dot_dimension_numbers<[1], [0], [0], [1], [0, 0, 1, 1], [], []>, transpose_lhs_hint = false} : vector<5000x128xf32>, vector<128x128xf32>, vector<5000x128xf32> -> vector<5000x128xf32>
    %get3A_13 = arith.constant 0 : index
    %get3A_14 = arith.constant 0 : index
    %get3A_15 = vector.load %arg3[%get3A_13, %get3A_14] : memref<1x128xf32, #tpu.memory_space<vmem>>, vector<1x128xf32>
    %add3A_16 = vector.broadcast %get3A_15 : vector<1x128xf32> to vector<5000x128xf32>
    %add3A_17 = arith.addf %dot_general3A_12, %add3A_16 : vector<5000x128xf32>
    %max3A = arith.constant 0.000000e+00 : f32
    %max3A_18 = vector.broadcast %max3A : f32 to vector<5000x128xf32>
    %max3A_19 = arith.maximumf %add3A_17, %max3A_18 : vector<5000x128xf32>
    %get3A_20 = arith.constant 0 : index
    %get3A_21 = arith.constant 0 : index
    %get3A_22 = vector.load %arg4[%get3A_20, %get3A_21] : memref<128x128xf32, #tpu.memory_space<vmem>>, vector<128x128xf32>
    %dot_general3A_23 = arith.constant dense<0.000000e+00> : vector<5000x128xf32>
    %dot_general3A_24 = tpu.matmul %max3A_19, %get3A_22, %dot_general3A_23 {dimension_numbers = #tpu.dot_dimension_numbers<[1], [0], [0], [1], [0, 0, 1, 1], [], []>, transpose_lhs_hint = false} : vector<5000x128xf32>, vector<128x128xf32>, vector<5000x128xf32> -> vector<5000x128xf32>
    %get3A_25 = arith.constant 0 : index
    %get3A_26 = arith.constant 0 : index
    %get3A_27 = vector.load %arg5[%get3A_25, %get3A_26] : memref<1x128xf32, #tpu.memory_space<vmem>>, vector<1x128xf32>
    %add3A_28 = vector.broadcast %get3A_27 : vector<1x128xf32> to vector<5000x128xf32>
    %add3A_29 = arith.addf %dot_general3A_24, %add3A_28 : vector<5000x128xf32>
    %max3A_30 = arith.constant 0.000000e+00 : f32
    %max3A_31 = vector.broadcast %max3A_30 : f32 to vector<5000x128xf32>
    %max3A_32 = arith.maximumf %add3A_29, %max3A_31 : vector<5000x128xf32>
    %get3A_33 = arith.constant 0 : index
    %get3A_34 = arith.constant 0 : index
    %get3A_35 = vector.load %arg6[%get3A_33, %get3A_34] : memref<128x128xf32, #tpu.memory_space<vmem>>, vector<128x128xf32>
    %dot_general3A_36 = arith.constant dense<0.000000e+00> : vector<5000x128xf32>
    %dot_general3A_37 = tpu.matmul %max3A_32, %get3A_35, %dot_general3A_36 {dimension_numbers = #tpu.dot_dimension_numbers<[1], [0], [0], [1], [0, 0, 1, 1], [], []>, transpose_lhs_hint = false} : vector<5000x128xf32>, vector<128x128xf32>, vector<5000x128xf32> -> vector<5000x128xf32>
    %get3A_38 = arith.constant 0 : index
    %get3A_39 = arith.constant 0 : index
    %get3A_40 = vector.load %arg7[%get3A_38, %get3A_39] : memref<1x128xf32, #tpu.memory_space<vmem>>, vector<1x128xf32>
    %add3A_41 = vector.broadcast %get3A_40 : vector<1x128xf32> to vector<5000x128xf32>
    %add3A_42 = arith.addf %dot_general3A_37, %add3A_41 : vector<5000x128xf32>
    %max3A_43 = arith.constant 0.000000e+00 : f32
    %max3A_44 = vector.broadcast %max3A_43 : f32 to vector<5000x128xf32>
    %max3A_45 = arith.maximumf %add3A_42, %max3A_44 : vector<5000x128xf32>
    %get3A_46 = arith.constant 0 : index
    %get3A_47 = arith.constant 0 : index
    %get3A_48 = vector.load %arg8[%get3A_46, %get3A_47] : memref<128x128xf32, #tpu.memory_space<vmem>>, vector<128x128xf32>
    %dot_general3A_49 = arith.constant dense<0.000000e+00> : vector<5000x128xf32>
    %dot_general3A_50 = tpu.matmul %max3A_45, %get3A_48, %dot_general3A_49 {dimension_numbers = #tpu.dot_dimension_numbers<[1], [0], [0], [1], [0, 0, 1, 1], [], []>, transpose_lhs_hint = false} : vector<5000x128xf32>, vector<128x128xf32>, vector<5000x128xf32> -> vector<5000x128xf32>
    %get3A_51 = arith.constant 0 : index
    %get3A_52 = arith.constant 0 : index
    %get3A_53 = vector.load %arg9[%get3A_51, %get3A_52] : memref<1x128xf32, #tpu.memory_space<vmem>>, vector<1x128xf32>
    %add3A_54 = vector.broadcast %get3A_53 : vector<1x128xf32> to vector<5000x128xf32>
    %add3A_55 = arith.addf %dot_general3A_50, %add3A_54 : vector<5000x128xf32>
    %swap3A = arith.constant 0 : index
    %swap3A_56 = arith.constant 0 : index
    %swap3A_57 = vector.load %arg10[%swap3A, %swap3A_56] : memref<5000x128xf32, #tpu.memory_space<vmem>>, vector<5000x128xf32>
    tpu.vector_store %arg10[%swap3A, %swap3A_56], %add3A_55 {strides = array<i32>} : memref<5000x128xf32, #tpu.memory_space<vmem>>, vector<5000x128xf32>,
    return
  }
  func.func @transform_0(%arg0: i32) -> (i32, i32, i32) {
    %c0_i32 = arith.constant 0 : i32
    %c0_i32_0 = arith.constant 0 : i32
    %c0_i32_1 = arith.constant 0 : i32
    return %c0_i32, %arg0, %c0_i32_0 : i32, i32, i32
  }
  func.func @transform_1(%arg0: i32) -> (i32, i32) {
    %c0_i32 = arith.constant 0 : i32
    %c0_i32_0 = arith.constant 0 : i32
    %c0_i32_1 = arith.constant 0 : i32
    return %c0_i32, %c0_i32_0 : i32, i32
  }
  func.func @transform_2(%arg0: i32) -> (i32, i32) {
    %c0_i32 = arith.constant 0 : i32
    %c0_i32_0 = arith.constant 0 : i32
    %c0_i32_1 = arith.constant 0 : i32
    return %c0_i32, %c0_i32_0 : i32, i32
  }
  func.func @transform_3(%arg0: i32) -> (i32, i32) {
    %c0_i32 = arith.constant 0 : i32
    %c0_i32_0 = arith.constant 0 : i32
    %c0_i32_1 = arith.constant 0 : i32
    return %c0_i32, %c0_i32_0 : i32, i32
  }
  func.func @transform_4(%arg0: i32) -> (i32, i32) {
    %c0_i32 = arith.constant 0 : i32
    %c0_i32_0 = arith.constant 0 : i32
    %c0_i32_1 = arith.constant 0 : i32
    return %c0_i32, %c0_i32_0 : i32, i32
  }
  func.func @transform_5(%arg0: i32) -> (i32, i32) {
    %c0_i32 = arith.constant 0 : i32
    %c0_i32_0 = arith.constant 0 : i32
    %c0_i32_1 = arith.constant 0 : i32
    return %c0_i32, %c0_i32_0 : i32, i32
  }
  func.func @transform_6(%arg0: i32) -> (i32, i32) {
    %c0_i32 = arith.constant 0 : i32
    %c0_i32_0 = arith.constant 0 : i32
    %c0_i32_1 = arith.constant 0 : i32
    return %c0_i32, %c0_i32_0 : i32, i32
  }
  func.func @transform_7(%arg0: i32) -> (i32, i32) {
    %c0_i32 = arith.constant 0 : i32
    %c0_i32_0 = arith.constant 0 : i32
    %c0_i32_1 = arith.constant 0 : i32
    return %c0_i32, %c0_i32_0 : i32, i32
  }
  func.func @transform_8(%arg0: i32) -> (i32, i32) {
    %c0_i32 = arith.constant 0 : i32
    %c0_i32_0 = arith.constant 0 : i32
    %c0_i32_1 = arith.constant 0 : i32
    return %c0_i32, %c0_i32_0 : i32, i32
  }
  func.func @transform_9(%arg0: i32) -> (i32, i32) {
    %c0_i32 = arith.constant 0 : i32
    %c0_i32_0 = arith.constant 0 : i32
    return %arg0, %c0_i32 : i32, i32
  }
}

module attributes {stable_mosaic.version = 14 : i64} {
  func.func @_tc_layer_body(%arg0: i32, %arg1: memref<2x5000x128xf32, #tpu.memory_space<vmem>>, %arg2: memref<128x128xf32, #tpu.memory_space<vmem>>, %arg3: memref<1x128xf32, #tpu.memory_space<vmem>>, %arg4: memref<128x128xf32, #tpu.memory_space<vmem>>, %arg5: memref<1x128xf32, #tpu.memory_space<vmem>>, %arg6: memref<5000x128xf32, #tpu.memory_space<vmem>>) attributes {dimension_semantics = [#tpu.dimension_semantics<arbitrary>], iteration_bounds = array<i64: 2>, scalar_prefetch = 0 : i64, scratch_operands = 0 : i64, tpu.core_type = #tpu.core_type<tc>, window_params = [{transform_indices = @transform_0, window_bounds = array<i64: 2, 5000, 128>}, {pipeline_mode = #tpu.pipeline_mode<synchronous>, transform_indices = @transform_1, window_bounds = array<i64: 128, 128>}, {pipeline_mode = #tpu.pipeline_mode<synchronous>, transform_indices = @transform_2, window_bounds = array<i64: 1, 128>}, {pipeline_mode = #tpu.pipeline_mode<synchronous>, transform_indices = @transform_3, window_bounds = array<i64: 128, 128>}, {pipeline_mode = #tpu.pipeline_mode<synchronous>, transform_indices = @transform_4, window_bounds = array<i64: 1, 128>}, {transform_indices = @transform_5, window_bounds = array<i64: 5000, 128>}]} {
    %get3A = arith.constant 0 : index
    %get3A_0 = arith.constant 0 : index
    %get3A_1 = arith.constant 0 : index
    %get3A_2 = vector.load %arg1[%get3A, %get3A_0, %get3A_1] : memref<2x5000x128xf32, #tpu.memory_space<vmem>>, vector<1x5000x128xf32>
    %get3A_3 = vector.shape_cast %get3A_2 : vector<1x5000x128xf32> to vector<5000x128xf32>
    %get3A_4 = arith.constant 1 : index
    %get3A_5 = arith.constant 0 : index
    %get3A_6 = arith.constant 0 : index
    %get3A_7 = vector.load %arg1[%get3A_4, %get3A_5, %get3A_6] : memref<2x5000x128xf32, #tpu.memory_space<vmem>>, vector<1x5000x128xf32>
    %get3A_8 = vector.shape_cast %get3A_7 : vector<1x5000x128xf32> to vector<5000x128xf32>
    %add3A = arith.addf %get3A_3, %get3A_8 : vector<5000x128xf32>
    %get3A_9 = arith.constant 0 : index
    %get3A_10 = arith.constant 0 : index
    %get3A_11 = vector.load %arg2[%get3A_9, %get3A_10] : memref<128x128xf32, #tpu.memory_space<vmem>>, vector<128x128xf32>
    %dot_general3A = arith.constant dense<0.000000e+00> : vector<5000x128xf32>
    %dot_general3A_12 = tpu.matmul %add3A, %get3A_11, %dot_general3A {dimension_numbers = #tpu.dot_dimension_numbers<[1], [0], [0], [1], [0, 0, 1, 1], [], []>, transpose_lhs_hint = false} : vector<5000x128xf32>, vector<128x128xf32>, vector<5000x128xf32> -> vector<5000x128xf32>
    %get3A_13 = arith.constant 0 : index
    %get3A_14 = arith.constant 0 : index
    %get3A_15 = vector.load %arg3[%get3A_13, %get3A_14] : memref<1x128xf32, #tpu.memory_space<vmem>>, vector<1x128xf32>
    %add3A_16 = vector.broadcast %get3A_15 : vector<1x128xf32> to vector<5000x128xf32>
    %add3A_17 = arith.addf %dot_general3A_12, %add3A_16 : vector<5000x128xf32>
    %max3A = arith.constant 0.000000e+00 : f32
    %max3A_18 = vector.broadcast %max3A : f32 to vector<5000x128xf32>
    %max3A_19 = arith.maximumf %add3A_17, %max3A_18 : vector<5000x128xf32>
    %get3A_20 = arith.constant 0 : index
    %get3A_21 = arith.constant 0 : index
    %get3A_22 = vector.load %arg4[%get3A_20, %get3A_21] : memref<128x128xf32, #tpu.memory_space<vmem>>, vector<128x128xf32>
    %dot_general3A_23 = arith.constant dense<0.000000e+00> : vector<5000x128xf32>
    %dot_general3A_24 = tpu.matmul %max3A_19, %get3A_22, %dot_general3A_23 {dimension_numbers = #tpu.dot_dimension_numbers<[1], [0], [0], [1], [0, 0, 1, 1], [], []>, transpose_lhs_hint = false} : vector<5000x128xf32>, vector<128x128xf32>, vector<5000x128xf32> -> vector<5000x128xf32>
    %get3A_25 = arith.constant 0 : index
    %get3A_26 = arith.constant 0 : index
    %get3A_27 = vector.load %arg5[%get3A_25, %get3A_26] : memref<1x128xf32, #tpu.memory_space<vmem>>, vector<1x128xf32>
    %add3A_28 = vector.broadcast %get3A_27 : vector<1x128xf32> to vector<5000x128xf32>
    %add3A_29 = arith.addf %dot_general3A_24, %add3A_28 : vector<5000x128xf32>
    %max3A_30 = arith.constant 0.000000e+00 : f32
    %max3A_31 = vector.broadcast %max3A_30 : f32 to vector<5000x128xf32>
    %max3A_32 = arith.maximumf %add3A_29, %max3A_31 : vector<5000x128xf32>
    %swap3A = arith.constant 0 : index
    %swap3A_33 = arith.constant 0 : index
    %swap3A_34 = vector.load %arg6[%swap3A, %swap3A_33] : memref<5000x128xf32, #tpu.memory_space<vmem>>, vector<5000x128xf32>
    tpu.vector_store %arg6[%swap3A, %swap3A_33], %max3A_32 {strides = array<i32>} : memref<5000x128xf32, #tpu.memory_space<vmem>>, vector<5000x128xf32>,
    return
  }
  func.func @transform_0(%arg0: i32) -> (i32, i32, i32) {
    %c0_i32 = arith.constant 0 : i32
    %c0_i32_0 = arith.constant 0 : i32
    %c0_i32_1 = arith.constant 0 : i32
    return %c0_i32, %arg0, %c0_i32_0 : i32, i32, i32
  }
  func.func @transform_1(%arg0: i32) -> (i32, i32) {
    %c0_i32 = arith.constant 0 : i32
    %c0_i32_0 = arith.constant 0 : i32
    %c0_i32_1 = arith.constant 0 : i32
    return %c0_i32, %c0_i32_0 : i32, i32
  }
  func.func @transform_2(%arg0: i32) -> (i32, i32) {
    %c0_i32 = arith.constant 0 : i32
    %c0_i32_0 = arith.constant 0 : i32
    %c0_i32_1 = arith.constant 0 : i32
    return %c0_i32, %c0_i32_0 : i32, i32
  }
  func.func @transform_3(%arg0: i32) -> (i32, i32) {
    %c0_i32 = arith.constant 0 : i32
    %c0_i32_0 = arith.constant 0 : i32
    %c0_i32_1 = arith.constant 0 : i32
    return %c0_i32, %c0_i32_0 : i32, i32
  }
  func.func @transform_4(%arg0: i32) -> (i32, i32) {
    %c0_i32 = arith.constant 0 : i32
    %c0_i32_0 = arith.constant 0 : i32
    %c0_i32_1 = arith.constant 0 : i32
    return %c0_i32, %c0_i32_0 : i32, i32
  }
  func.func @transform_5(%arg0: i32) -> (i32, i32) {
    %c0_i32 = arith.constant 0 : i32
    %c0_i32_0 = arith.constant 0 : i32
    return %arg0, %c0_i32 : i32, i32
  }
}

</mosaic_0001>

<sc_bundles>
// kernel: kernel.11.cloned.1.call-start
scs
__scs_entry_jumppad:
0x0: {  	(pc) =	sbr.rel $0x88, $3  }
0x1: {  	(tag) =	ssettag $0x0;
	lr =	simm.s32 $0x1  }
0x2: {  	[smem:$0x3F8F] =	sst lr;
	_ =	strace $0xD0000000  }
0x3: {  	_ = 	snop  }
0x4: {  	_ = 	snop  }
0x5: {  	_ = 	snop  }
0x6: {  	_ = 	snop  }
0x7: {  	_ = 	snop  }
__scs_overlays_trampoline_lowered:
0x8: {  	[smem:$0x3F9E] =	sst s0  }
0x9: {  	[smem:$0x3F9F] =	sst s1  }
0xa: {  	[smem:$0x3FA0] =	sst s2  }
0xb: {  	[smem:$0x3FA1] =	sst s3  }
0xc: {  	[smem:$0x3FA2] =	sst s4  }
0xd: {  	[smem:$0x3FA3] =	sst s5  }
0xe: {  	[smem:$0x3FA4] =	sst s6  }
0xf: {  	[smem:$0x3FA5] =	sst s7  }
0x10: {  	[smem:$0x3FA6] =	sst s8  }
0x11: {  	[smem:$0x3FA7] =	sst s9;
	s0 =	simm.s32 @!p0 $0x0  }
0x12: {  	s1 =	sld [smem:$0x3F8D];
	s0 =	simm.s32 @p0 $0x1  }
0x13: {  	[smem:$0x3FA8] =	sst s0;
	s0 =	simm.s32 @!p1 $0x0  }
0x14: {  	s2 =	sld [smem:$0x3F8C];
	s0 =	simm.s32 @p1 $0x1  }
0x15: {  	[smem:$0x3FA9] =	sst s0;
	s0 =	simm.s32 @!p2 $0x0  }
0x16: {  	s3 =	sld [smem:$0x3FDB];
	s0 =	simm.s32 @p2 $0x1  }
0x17: {  	s4 =	simm.s32 $0x1BF5;
	[smem:$0x3FAB] =	sst s0  }
0x18: {  	s0 =	sld [smem:$0x3F8E];
	_ =	swait.ge [sflag:s4], $0x0  }
0x19: {  	s7 =	sld [smem:$0x3F8F]  }
0x1a: {  	s8 =	sadd.s32 $0xFFFFE003, lr  }
0x1b: {  	s9 =	sadd.s32 $0xFFFFFEF7, lr;
	s5 =	simm.s32 $0xFFFFFFFF;
	p2 =	slt.u32 s8, $0xFFFFF086  }
0x1c: {  	p1 =	slt.u32 s9, $0xF7A;
	s5 =	simm.s32 @!p2 $0x0  }
0x1d: {  	s5 =	simm.s32 @p1 $0x1;
	p0 =	seq.s32 s7, s2  }
0x1e: {  	s7 =	smul.u32 @!p0 $0xF7A, s2;
	p2 =	seq.s32 @!p0 s5, $0x0  }
0x1f: {  	s9 =	smul.u32 $0xF7A, s1;
	s8 =	simm.s32 @!p0 $0x1BF5;
	p2 =	por !p2, p0  }
0x20: {  	[sflag:s8] =	ssyncset.s32 @!p0 $0xFFFFF086;
	s6 =	sadd.s32 @!p0 s3, s7;
	s7 =	simm.s32 @!p0 $0x108  }
0x21: {  	s3 =	sadd.s32 s3, s9;
	s6 =	sadd.s32 @!p0 $0x88, s6;
	s7 =	simm.s32 @p2 $0x1082  }
0x22: {  	[simem:s7], [sflag:s8] =	dma.local @!p0 [hbm:s6], $0xF7A  }
0x23: {  	s9 =	sor.u32 $0xD0000000, s2;
	s6 =	simm.s32 $0x108;
	_ =	swait.ge @!p0 [sflag:s8], $0x0  }
0x24: {  	s3 =	sadd.s32 $0x88, s3;
	s6 =	simm.s32 @!p1 $0x1082;
	[sflag:s4] =	ssyncset.s32 $0xFFFFF086  }
0x25: {  	[simem:s6], [sflag:s4] =	dma.local [hbm:s3], $0xF7A  }
0x26: {  	[smem:$0x3F8F] =	sst s1;
	(tag) =	ssettag s2;
	_ =	strace s9  }
0x27: {  	s1 =	sld [smem:$0x3F9F]  }
0x28: {  	s2 =	sld [smem:$0x3FA0]  }
0x29: {  	s4 =	sld [smem:$0x3FA2]  }
0x2a: {  	p0 =	seq.s32 s5, $0x0;
	s5 =	sld [smem:$0x3FA3]  }
0x2b: {  	s6 =	sld [smem:$0x3FA4]  }
0x2c: {  	s7 =	sld [smem:$0x3FA5]  }
0x2d: {  	s3 =	simm.s32 $0x108;
	s8 =	sld [smem:$0x3FA6]  }
0x2e: {  	s3 =	simm.s32 @!p0 $0x1082;
	s9 =	sld [smem:$0x3FA7]  }
0x2f: {  	lr =	sadd.s32 s0, s3;
	s0 =	sld [smem:$0x3F9E]  }
0x30: {  	s3 =	sld [smem:$0x3FA1]  }
0x31: {  	[smem:$0x3FAA] =	sst s10  }
0x32: {  	s10 =	sld [smem:$0x3FA8];
	_ =	sdelay $0x3  }
0x33: {  	p0 =	seq.s32 s10, $0x1;
	s10 =	sld [smem:$0x3FAA];
	_ =	sdelay $0x3  }
0x34: {  	[smem:$0x3FAA] =	sst s10  }
0x35: {  	s10 =	sld [smem:$0x3FA9];
	_ =	sdelay $0x3  }
0x36: {  	p1 =	seq.s32 s10, $0x1;
	s10 =	sld [smem:$0x3FAA];
	_ =	sdelay $0x3  }
0x37: {  	[smem:$0x3FAA] =	sst s10  }
0x38: {  	s10 =	sld [smem:$0x3FAB]  }
0x39: {  	_ = 	snop;
	(pc) =	sbr.ind lr, $3  }
0x3a: {  	_ = 	snop  }
0x3b: {  	_ = 	snop  }
0x3c: {  	p2 =	seq.s32 s10, $0x1;
	s10 =	sld [smem:$0x3FAA]  }
0x3d: {  	_ =	shalt  }
0x3e: {  	_ =	shalt  }
0x3f: {  	_ =	shalt  }
0x40: {  	_ =	shalt  }
0x41: {  	_ =	shalt  }
0x42: {  	_ =	shalt  }
0x43: {  	_ =	shalt  }
0x44: {  	_ =	shalt  }
0x45: {  	_ =	shalt  }
0x46: {  	_ =	shalt  }
0x47: {  	_ =	shalt  }
0x48: {  	_ =	shalt  }
0x49: {  	_ =	shalt  }
0x4a: {  	_ =	shalt  }
0x4b: {  	_ =	shalt  }
0x4c: {  	_ =	shalt  }
0x4d: {  	_ =	shalt  }
0x4e: {  	_ =	shalt  }
0x4f: {  	_ =	shalt  }
0x50: {  	_ =	shalt  }
0x51: {  	_ =	shalt  }
0x52: {  	_ =	shalt  }
0x53: {  	_ =	shalt  }
0x54: {  	_ =	shalt  }
0x55: {  	_ =	shalt  }
0x56: {  	_ =	shalt  }
0x57: {  	_ =	shalt  }
0x58: {  	_ =	shalt  }
0x59: {  	_ =	shalt  }
0x5a: {  	_ =	shalt  }
0x5b: {  	_ =	shalt  }
0x5c: {  	_ =	shalt  }
0x5d: {  	_ =	shalt  }
0x5e: {  	_ =	shalt  }
0x5f: {  	_ =	shalt  }
0x60: {  	_ =	shalt  }
0x61: {  	_ =	shalt  }
0x62: {  	_ =	shalt  }
0x63: {  	_ =	shalt  }
0x64: {  	_ =	shalt  }
0x65: {  	_ =	shalt  }
0x66: {  	_ =	shalt  }
0x67: {  	_ =	shalt  }
0x68: {  	_ =	shalt  }
0x69: {  	_ =	shalt  }
0x6a: {  	_ =	shalt  }
0x6b: {  	_ =	shalt  }
0x6c: {  	_ =	shalt  }
0x6d: {  	_ =	shalt  }
0x6e: {  	_ =	shalt  }
0x6f: {  	_ =	shalt  }
0x70: {  	_ =	shalt  }
0x71: {  	_ =	shalt  }
0x72: {  	_ =	shalt  }
0x73: {  	_ =	shalt  }
0x74: {  	_ =	shalt  }
0x75: {  	_ =	shalt  }
0x76: {  	_ =	shalt  }
0x77: {  	_ =	shalt  }
0x78: {  	_ =	shalt  }
0x79: {  	_ =	shalt  }
0x7a: {  	_ =	shalt  }
0x7b: {  	_ =	shalt  }
0x7c: {  	_ =	shalt  }
0x7d: {  	_ =	shalt  }
0x7e: {  	_ =	shalt  }
0x7f: {  	_ =	shalt  }
0x80: {  	_ =	shalt  }
0x81: {  	_ =	shalt  }
0x82: {  	_ =	shalt  }
0x83: {  	_ =	shalt  }
0x84: {  	_ =	shalt  }
0x85: {  	_ =	shalt  }
0x86: {  	_ =	shalt  }
0x87: {  	_ =	shalt  }
.Lfunc_end0:
.L_simem_size_0:
called_computation.1_lowered:
.L_overlay_start_0:
0x88: {  	s2 =	sld [smem:$0x3FD9]  }
0x89: {  	s3 =	sld [smem:$0x3FFE];
	_ =	sdelay $0x1  }
0x8a: {  	s1 =	srdreg.scid  }
0x8b: {  	s0 =	sand.u32 $0x1, s1  }
0x8c: {  	s17 =	sshll.u32 s0, $0xA;
	s2 =	sadd.s32 s3, s2  }
0x8d: {  	s2 =	sadd.s32 s2, s17  }
0x8e: {  	[smem:$0x3FB6] =	sst s2  }
0x8f: {  	_ = 	snop  }
0x90: {  	s2 =	sld [smem:$0x3FD0];
	(tm) =	ssettm $0x1  }
0x91: {  	s18 =	sld [smem:$0x3FFB];
	_ =	sdelay $0x3  }
0x92: {  	_ =	strace s18  }
0x93: {  	s3 =	sld [smem:$0x3FFC];
	_ =	sdelay $0x3  }
0x94: {  	_ =	strace s3  }
0x95: {  	s3 =	sld [smem:$0x3FFD];
	_ =	sdelay $0x3  }
0x96: {  	_ =	strace s3  }
0x97: {  	_ =	strace $0x8FFFFFFF  }
0x98: {  	s19 =	sld [smem:$0x3FDB];
	_ =	sdelay $0x1  }
0x99: {  	s4 =	simm.s32 $_scs_section_size  }
0x9a: {  	s5 =	simm.s32 $_size__tile_overlayer_lowered;
	s6 =	simm.s32 $_tile_overlayer_lowered  }
0x9b: {  	s22 =	simm.s32 $0x1BFF;
	s21 =	sshll.u32 s6, $0x1;
	s3 =	sadd.s32 s4, s19  }
0x9c: {  	s7 =	simm.s32 $0x0;
	s20 =	sshll.u32 s5, $0x1;
	s5 =	sadd.s32 s21, s3  }
0x9d: {  	[timem:s7], [sflag:s22] =	dma.local [hbm:s5], s20  }
0x9e: {  	_ =	swait.ge [sflag:s22], s20  }
0x9f: {  	s4 =	ssub.s32 $0x0, s20;
	[sflag:s22] =	ssyncset.done $0x0  }
0xa0: {  	[sflag:s22] =	ssyncadd.s32 s4;
	_ =	sdelay $0x1  }
0xa1: {  	s23 =	simm.s32 $0x1B8B  }
0xa2: {  	_ =	swait.ge [sflag:s23], $0x1  }
0xa3: {  	[sflag:s23] =	ssyncset.done $0x0  }
0xa4: {  	s25 =	simm.s32 $0x1B8E;
	s24 =	sld [smem:$0x3FFE];
	[sflag:s23] =	ssyncadd.s32 $0xFFFFFFFF  }
0xa5: {  	s26 =	simm.s32 $execute0_lowered;
	[smem:$0x3FD2] =	sst s25  }
0xa6: {  	s5 =	sshll.u32 s26, $0x1;
	_ =	strace $0x80000049;
	[dreg:$0x1] =	wrdreg $0xFFFFFFFF  }
0xa7: {  	s28 =	simm.s32 $_size_execute0_lowered;
	s3 =	sadd.s32 s3, s5;
	[dreg:$0x0] =	wrdreg $0x0  }
0xa8: {  	s5 =	sshll.u32 s28, $0x1;
	[dreg:$0x2] =	wrdreg s3  }
0xa9: {  	[dreg:$0x3] =	wrdreg s5  }
0xaa: {  	[dreg:$0x4] =	wrdreg $0xC0  }
0xab: {  	_ =	task [dreg:s7], $0x5FFFF  }
0xac: {  	[dreg:$0x1] =	wrdreg $0xFFFFFFFF  }
0xad: {  	[dreg:$0x0] =	wrdreg $0x60  }
0xae: {  	[dreg:$0x2] =	wrdreg s24  }
0xaf: {  	[dreg:$0x3] =	wrdreg s2  }
0xb0: {  	[dreg:$0x4] =	wrdreg $0xA9000  }
0xb1: {  	[dreg:$0x5] =	wrdreg $0x9  }
0xb2: {  	_ =	task.clear_ibuf [dreg:s7], $0x6FFFF;
	_ =	strace $0x90000049  }
0xb3: {  	s29 =	simm.s32 $0x9;
	_ =	strace $0x8000004B  }
0xb4: {  	_ =	swait.ge [sflag:s29], $0x1  }
0xb5: {  	[sflag:s29] =	ssyncadd.s32 $0xFFFFFFFF  }
0xb6: {  	_ =	strace $0x9000004B  }
0xb7: {  	_ =	sfence  }
0xb8: {  	s30 =	sld [smem:$0x0];
	_ =	sdelay $0x2  }
0xb9: {  	s31 =	sshll.u32 s1, $0xD;
	s1 =	sshrl.u32 s1, $0x2  }
0xba: {  	s3 =	sand.u32 $0x4000, s31;
	s1 =	sadd.s32 s1, s30  }
0xbb: {  	s0 =	sor.u32 s3, s0;
	s1 =	sshll.u32 s1, $0x11  }
0xbc: {  	s0 =	sor.u32 s1, s0  }
0xbd: {  	s0 =	sadd.s32 $0x8F2B, s0  }
0xbe: {  	[sflag:s0] =	ssyncadd.remote.s32 $0x1  }
0xbf: {  	_ =	sfence.sel $0xFFFF  }
0xc0: {  	[dreg:$0x0] =	wrdreg $0xFFFFFFFF;
	(pc) =	sbr.abs _section_cstart, $3  }
0xc1: {  	[dreg:$0x1] =	wrdreg $0xFFFFFFFF  }
0xc2: {  	_ =	task.clear_ibuf [dreg:s7], $0x2FFFF;
	_ =	strace $0x9FFFFFFF  }
0xc3: {  	(tm) =	ssettm $0x7FFFFFFF  }
tec
execute0_lowered:
.L_overlay_start_1:
0x0: {  	(tag) =	ssettag $0x1  }
0x1: {  	s1 =	rddreg [dreg:$0x0]  }
0x2: {  	s2 =	rddreg [dreg:$0x1];
	s4 =	srdreg.scid  }
0x3: {  	s0 =	stileid.u32;
	s3 =	rddreg [dreg:$0x2];
	s20 =	simm.s32 $0x2880  }
0x4: {  	s21 =	simm.s32 $0x80;
	s22 =	simm.s32 $0x2900;
	s23 =	simm.s32 $0x6900  }
0x5: {  	s28 =	simm.s32 $0x2;
	s29 =	simm.s32 $0x0;
	s10 =	smul.u32 $0x4E000, s0  }
0x6: {  	s12 =	sand.u32 $0x1, s4;
	s5 =	sshll.u32 s0, $0x1;
	s13 =	smul.u32 $0x2700, s0  }
0x7: {  	s4 =	simm.s32 $0x0;
	s17 =	sadd.s32 $0x2E00, s1;
	s16 =	smul.u32 $0x13800, s0  }
0x8: {  	p4 =	sne.s32 s0, $0xF;
	p0 =	seq.s32 s0, $0xF;
	s18 =	smul.u32 $0x5000, s0  }
0x9: {  	s5 =	sor.u32 s12, s5;
	[smem:$0x7FF] =	sst s4;
	s14 =	smul.u32 $0x138800, s12  }
0xa: {  	s7 =	ssub.s32 $0x2, s12;
	p1 =	seq.s32 s12, $0x0;
	s19 =	smul.u32 $0x2800, s12  }
0xb: {  	s6 =	smul.u32 $0x2800, s5;
	_ =	strace $0x8000004A;
	s5 =	sadd.s32 $0x16E00, s1  }
0xc: {  	s9 =	sshrl.u32 s7, $0x1;
	p2 =	por !p4, !p1;
	p3 =	por !p0, !p1  }
0xd: {  	s10 =	sshrl.u32 s10, $0x2;
	s15 =	ssub.s32 s7, s9;
	p1 =	por !p2, !p2  }
0xe: {  	p2 =	por !p3, !p3;
	s9 =	sadd.s32 $0x124800, s3;
	s10 =	sadd.s32 s10, s3  }
0xf: {  	p3 =	seq.s32 s12, $0x1;
	s11 =	sadd.s32 s5, s13;
	s12 =	sadd.s32 s2, s13  }
0x10: {  	s24 =	sadd.s32 s16, s14;
	s14 =	sshrl.u32 s14, $0x3;
	s25 =	sadd.s32 s19, s18  }
0x11: {  	s19 =	simm.s32 $0x2800;
	s6 =	sshrl.u32 s6, $0x3;
	p4 =	por !p4, !p3  }
0x12: {  	s13 =	sshrl.u32 s24, $0x3;
	s18 =	sor.u32 $0x100, s25;
	s30 =	sor.u32 $0x180, s25  }
0x13: {  	s15 =	smax.u32 s15, $0x1;
	s24 =	simm.s32 $0x3;
	s25 =	simm.s32 $0x1  }
0x14: {  	s8 =	sadd.s32 s6, s1;
	s1 =	sadd.s32 $0x3E000, s1;
	s6 =	sadd.s32 s17, s6  }
0x15: {  	p4 =	por !p4, !p4;
	s26 =	sshrl.u32 s18, $0x3;
	s31 =	sshrl.u32 s30, $0x3  }
0x16: {  	s18 =	simm.s32 $0x5;
	s7 =	sadd.s32 $0xCE00, s8;
	s8 =	sadd.s32 $0x10, s6  }
0x17: {  	s13 =	sadd.s32 s1, s13;
	s1 =	sadd.s32 s1, s14;
	s16 =	sadd.s32 s26, s17  }
0x18: {  	s17 =	sadd.s32 s31, s17;
	s26 =	simm.s32 $0x4;
	s14 =	sadd.s32 $0x24900, s1  }
.LBB2_1:
0x19: {  	[tilespmem:s4], [sflag:$0x5] =	stream.linear.gather [hbm4b:s7+s4], $0x2800, $0x38;
	[tilespmem:$0x1E980] =	vst v63  }
0x1a: {  	_ =	swait.ge [sflag:s18], $0x2800  }
0x1b: {  	[sflag:s18] =	ssyncset.done $0x0  }
0x1c: {  	[sflag:s18] =	ssyncadd.s32 $0xFFFFD800  }
0x1d: {  	[tilespmem:s19], [sflag:$0x3] =	stream.linear.gather [hbm4b:s6+s4], $0x80, $0x38;
	[tilespmem:$0x1E980] =	vst v63  }
0x1e: {  	_ = 	snop  }
0x1f: {  	[tilespmem:s20], [sflag:$0x4] =	stream.linear.gather [hbm4b:s8+s4], $0x80, $0x38;
	[tilespmem:$0x1E980] =	vst v63  }
.Ltmp0:
0x20: {  	_ = 	snop;
	(pc) =	sbr.rel @!p1 .LBB2_4-.Ltmp0, $4  }
0x21: {  	_ = 	snop  }
0x22: {  	[tilespmem:s22], [sflag:$0x1] =	stream.indirect.gather [hbm4b:s5+s21], $0x80, s4, s21, $0xb8;
	[tilespmem:$0x1E980] =	vst v63  }
0x23: {  	_ = 	snop  }
0x24: {  	[tilespmem:s23], [sflag:$0x2] =	stream.indirect.gather [hbm4b:s5+s21], $0x80, s21, s21, $0xb8;
	[tilespmem:$0x1E980] =	vst v63  }
0x25: {  	s1 =	sshll.u32 s0, $0x6  }
.Ltmp1:
0x26: {  	s30 =	sshrl.u32 s10, $0x3;
	s1 =	sor.u32 $0x1C05, s1;
	(pc) =	sbr.rel .LBB2_3-.Ltmp1, $4  }
0x27: {  	[spmem:s30], [sflag:s1] =	dma.local [hbm:s11], $0x2700  }
0x28: {  	_ =	swait.ge [sflag:s18], $0x2700  }
0x29: {  	[sflag:s18] =	ssyncset.done $0x0  }
0x2a: {  	p5 =	por $0x0, $0x0;
	[sflag:s18] =	ssyncadd.s32 $0xFFFFD900  }
.LBB2_4:
.Ltmp2:
0x2b: {  	(pc) =	sbr.rel @!p2 .LBB2_3-.Ltmp2, $2  }
0x2c: {  	_ =	sdelay $0x2  }
0x2d: {  	p5 =	por p0, p0  }
.Ltmp3:
0x2e: {  	(pc) =	sbr.rel .LBB2_6-.Ltmp3, $2  }
0x2f: {  	_ =	sdelay $0x2  }
0x30: {  	p5 =	por $0x1, $0x1;
	s30 =	simm.s32 $0xF;
	s1 =	smov.u32 s5  }
.LBB2_3:
0x31: {  	s1 =	sshll.u32 @p4 s0, $0x6;
	p6 =	por @p4 $0x1, $0x1  }
0x32: {  	s30 =	sshrl.u32 @p4 s10, $0x3;
	s1 =	sor.u32 @p4 $0x1C05, s1;
	p6 =	por @!p4 p3, p3  }
0x33: {  	[spmem:s30], [sflag:s1] =	dma.local @p4 [hbm:s12], $0x2700  }
0x34: {  	p6 =	por !p6, !p5  }
0x35: {  	p6 =	por !p6, !p6  }
.Ltmp4:
0x36: {  	s1 =	simm.s32 @p4 $0x5;
	(pc) =	sbr.rel @!p6 .LBB2_7-.Ltmp4, $4  }
0x37: {  	_ =	swait.ge @p4 [sflag:s1], $0x2700  }
0x38: {  	[sflag:s1] =	ssyncset.done @p4 $0x0  }
0x39: {  	[sflag:s1] =	ssyncadd.s32 @p4 $0xFFFFD900  }
0x3a: {  	s30 =	stileid.u32;
	s1 =	rddreg [dreg:$0x1]  }
.LBB2_6:
0x3b: {  	s30 =	sshll.u32 s30, $0x6  }
0x3c: {  	s1 =	sadd.s32 $0x24900, s1;
	s31 =	sshrl.u32 s9, $0x3;
	s30 =	sor.u32 $0x1C05, s30  }
0x3d: {  	[spmem:s31], [sflag:s30] =	dma.local [hbm:s1], $0x2800  }
0x3e: {  	_ =	swait.ge [sflag:s18], $0x2800  }
0x3f: {  	[sflag:s18] =	ssyncset.done $0x0  }
0x40: {  	[sflag:s18] =	ssyncadd.s32 $0xFFFFD800  }
.LBB2_7:
0x41: {  	[bflag:$0x0] =	sbarrier.arrive $0xFFFF  }
0x42: {  	_ =	swait.ge [sflag:s24], $0x80  }
0x43: {  	[sflag:s24] =	ssyncset.done $0x0  }
0x44: {  	[sflag:s24] =	ssyncadd.s32 $0xFFFFFF80  }
0x45: {  	_ =	swait.ge [sflag:s25], $0x4000  }
0x46: {  	[sflag:s25] =	ssyncset.done $0x0  }
0x47: {  	[sflag:s25] =	ssyncadd.s32 $0xFFFFC000  }
0x48: {  	[spmem:s3] =	stream.indirect.scatter.add.f32 [tilespmem:s22], [sflag:$0x5], $0x80, s19, s21, $0xb8;
	[tilespmem:$0x1E980] =	vst v63  }
0x49: {  	_ =	swait.ge [sflag:s18], $0x4000  }
0x4a: {  	[sflag:s18] =	ssyncset.done $0x0  }
0x4b: {  	s1 =	sadd.s32 $0x0, s16;
	[sflag:s18] =	ssyncadd.s32 $0xFFFFC000  }
0x4c: {  	[tilespmem:s19], [sflag:$0x3] =	stream.linear.gather [hbm4b:s1+s4], $0x80, $0x38;
	[tilespmem:$0x1E980] =	vst v63  }
0x4d: {  	s2 =	simm.s32 $0x100  }
0x4e: {  	[tilespmem:s22], [sflag:$0x1] =	stream.indirect.gather [hbm4b:s5+s21], $0x80, s2, s21, $0xb8;
	[tilespmem:$0x1E980] =	vst v63  }
0x4f: {  	_ =	swait.ge [sflag:s26], $0x80  }
0x50: {  	[sflag:s26] =	ssyncset.done $0x0  }
0x51: {  	[sflag:s26] =	ssyncadd.s32 $0xFFFFFF80  }
0x52: {  	_ =	swait.ge [sflag:s28], $0x4000  }
0x53: {  	[sflag:s28] =	ssyncset.done $0x0  }
0x54: {  	[sflag:s28] =	ssyncadd.s32 $0xFFFFC000  }
0x55: {  	[spmem:s3] =	stream.indirect.scatter.add.f32 [tilespmem:s23], [sflag:$0x5], $0x80, s20, s21, $0xb8;
	[tilespmem:$0x1E980] =	vst v63  }
0x56: {  	_ =	swait.ge [sflag:s18], $0x4000  }
0x57: {  	s30 =	simm.s32 $0x20;
	s31 =	simm.s32 $0x200;
	[sflag:s18] =	ssyncset.done $0x0  }
0x58: {  	s1 =	simm.s32 $0x180;
	s2 =	sadd.s32 $0x0, s17;
	[sflag:s18] =	ssyncadd.s32 $0xFFFFC000  }
0x59: {  	[tilespmem:s20], [sflag:$0x4] =	stream.linear.gather [hbm4b:s2+s4], $0x80, $0x38;
	[tilespmem:$0x1E980] =	vst v63  }
.LBB2_8:
0x5a: {  	[tilespmem:s23], [sflag:$0x2] =	stream.indirect.gather [hbm4b:s5+s21], $0x80, s1, s21, $0xb8;
	[tilespmem:$0x1E980] =	vst v63  }
0x5b: {  	s1 =	smov.u32 s30  }
0x5c: {  	p6 =	sne.s32 s30, $0x4C0;
	s30 =	sadd.s32 $0x20, s30;
	_ =	swait.ge [sflag:s24], $0x80  }
0x5d: {  	[sflag:s24] =	ssyncset.done $0x0  }
0x5e: {  	[sflag:s24] =	ssyncadd.s32 $0xFFFFFF80  }
0x5f: {  	_ =	swait.ge [sflag:s25], $0x4000  }
0x60: {  	[sflag:s25] =	ssyncset.done $0x0  }
0x61: {  	[sflag:s25] =	ssyncadd.s32 $0xFFFFC000  }
0x62: {  	[spmem:s3] =	stream.indirect.scatter.add.f32 [tilespmem:s22], [sflag:$0x5], $0x80, s19, s21, $0xb8;
	[tilespmem:$0x1E980] =	vst v63  }
0x63: {  	_ =	swait.ge [sflag:s18], $0x4000  }
0x64: {  	[sflag:s18] =	ssyncset.done $0x0  }
0x65: {  	s2 =	sadd.s32 s1, s16;
	[sflag:s18] =	ssyncadd.s32 $0xFFFFC000  }
0x66: {  	[tilespmem:s19], [sflag:$0x3] =	stream.linear.gather [hbm4b:s2+s4], $0x80, $0x38;
	[tilespmem:$0x1E980] =	vst v63  }
0x67: {  	_ = 	snop  }
0x68: {  	[tilespmem:s22], [sflag:$0x1] =	stream.indirect.gather [hbm4b:s5+s21], $0x80, s31, s21, $0xb8;
	[tilespmem:$0x1E980] =	vst v63  }
0x69: {  	_ =	swait.ge [sflag:s26], $0x80  }
0x6a: {  	[sflag:s26] =	ssyncset.done $0x0  }
0x6b: {  	[sflag:s26] =	ssyncadd.s32 $0xFFFFFF80  }
0x6c: {  	_ =	swait.ge [sflag:s28], $0x4000  }
0x6d: {  	[sflag:s28] =	ssyncset.done $0x0  }
0x6e: {  	[sflag:s28] =	ssyncadd.s32 $0xFFFFC000  }
0x6f: {  	[spmem:s3] =	stream.indirect.scatter.add.f32 [tilespmem:s23], [sflag:$0x5], $0x80, s20, s21, $0xb8;
	[tilespmem:$0x1E980] =	vst v63  }
.Ltmp5:
0x70: {  	_ =	swait.ge [sflag:s18], $0x4000;
	(pc) =	sbr.rel @p6 .LBB2_8-.Ltmp5, $4  }
0x71: {  	[sflag:s18] =	ssyncset.done $0x0  }
0x72: {  	s1 =	sadd.s32 s1, s17;
	[sflag:s18] =	ssyncadd.s32 $0xFFFFC000  }
0x73: {  	[tilespmem:s20], [sflag:$0x4] =	stream.linear.gather [hbm4b:s1+s4], $0x80, $0x38;
	[tilespmem:$0x1E980] =	vst v63  }
0x74: {  	s1 =	sadd.s32 $0x80, s31;
	s31 =	sadd.s32 $0x100, s31  }
0x75: {  	[tilespmem:s23], [sflag:$0x2] =	stream.indirect.gather [hbm4b:s5+s21], $0x80, s1, s21, $0xb8;
	[tilespmem:$0x1E980] =	vst v63  }
0x76: {  	_ =	swait.ge [sflag:s24], $0x80  }
0x77: {  	[sflag:s24] =	ssyncset.done $0x0  }
0x78: {  	[sflag:s24] =	ssyncadd.s32 $0xFFFFFF80  }
0x79: {  	_ =	swait.ge [sflag:s25], $0x4000  }
0x7a: {  	[sflag:s25] =	ssyncset.done $0x0  }
0x7b: {  	[sflag:s25] =	ssyncadd.s32 $0xFFFFC000  }
0x7c: {  	[spmem:s3] =	stream.indirect.scatter.add.f32 [tilespmem:s22], [sflag:$0x5], $0x80, s19, s21, $0xb8;
	[tilespmem:$0x1E980] =	vst v63  }
0x7d: {  	_ =	swait.ge [sflag:s18], $0x4000  }
0x7e: {  	[sflag:s18] =	ssyncset.done $0x0  }
0x7f: {  	[sflag:s18] =	ssyncadd.s32 $0xFFFFC000  }
0x80: {  	_ =	swait.ge [sflag:s26], $0x80  }
0x81: {  	[sflag:s26] =	ssyncset.done $0x0  }
0x82: {  	[sflag:s26] =	ssyncadd.s32 $0xFFFFFF80  }
0x83: {  	_ =	swait.ge [sflag:s28], $0x4000  }
0x84: {  	[sflag:s28] =	ssyncset.done $0x0  }
0x85: {  	[sflag:s28] =	ssyncadd.s32 $0xFFFFC000  }
0x86: {  	[spmem:s3] =	stream.indirect.scatter.add.f32 [tilespmem:s23], [sflag:$0x5], $0x80, s20, s21, $0xb8;
	[tilespmem:$0x1E980] =	vst v63  }
0x87: {  	_ =	swait.ge [sflag:s18], $0x4000  }
0x88: {  	[sflag:s18] =	ssyncset.done $0x0  }
0x89: {  	s1 =	sshll.u32 @!p0 s0, $0x6;
	[sflag:s18] =	ssyncadd.s32 $0xFFFFC000  }
0x8a: {  	s2 =	sshrl.u32 @!p0 s10, $0x3;
	s1 =	sor.u32 @!p0 $0x1C05, s1;
	[bflag:$0x0] =	sbarrier.arrive $0xFFFF  }
0x8b: {  	[hbm:s13], [sflag:s1] =	dma.local @!p0 [spmem:s2], $0x2700  }
0x8c: {  	s1 =	simm.s32 @!p0 $0x5  }
0x8d: {  	s29 =	sadd.s32 $0x1, s29;
	_ =	swait.ge @!p0 [sflag:s1], $0x2700  }
0x8e: {  	p6 =	sne.s32 s29, s15;
	s2 =	sshll.u32 @p5 s0, $0x6;
	[sflag:s1] =	ssyncset.done @!p0 $0x0  }
0x8f: {  	[sflag:s1] =	ssyncadd.s32 @!p0 $0xFFFFD900;
	s1 =	sor.u32 @p5 $0x1C05, s2;
	s2 =	sshrl.u32 @p5 s9, $0x3  }
0x90: {  	[hbm:s14], [sflag:s1] =	dma.local @p5 [spmem:s2], $0x2800  }
.Ltmp6:
0x91: {  	_ = 	snop;
	(pc) =	sbr.rel @p6 .LBB2_1-.Ltmp6, $4  }
0x92: {  	s1 =	simm.s32 @p5 $0x5  }
0x93: {  	_ =	swait.ge @p5 [sflag:s1], $0x2800  }
0x94: {  	[sflag:s1] =	ssyncset.done @p5 $0x0  }
0x95: {  	[sflag:s1] =	ssyncadd.s32 @p5 $0xFFFFD800  }
0x96: {  	_ =	sfence.sel $0x180000  }
0x97: {  	[bflag:$0x0] =	sbarrier.arrive $0xFFFF  }
0x98: {  	_ =	strace $0x9000004A  }
0x99: {  	[bflag:$0x2] =	sbarrier.arrive $0xFFFF  }
0x9a: {  	p0 =	sne.s32 s0, $0x0;
	s0 =	rddreg [dreg:$0x3]  }
0x9b: {  	s0 =	sadd.s32 @!p0 $0x100000, s0  }
0x9c: {  	[sflag:s0] =	ssyncadd.tile.s32 @!p0 $0x1;
	_ =	shalt  }
.Lfunc_end2:
_tile_overlayer_lowered:
.L_overlay_start_2:
0x9d: {  	(tag) =	ssettag $0x2  }
0x9e: {  	s0 =	rddreg [dreg:$0x0];
	s2 =	stileid.u32  }
0x9f: {  	s1 =	rddreg [dreg:$0x1];
	p0 =	sne.s32 s2, $0x0  }
0xa0: {  	s3 =	rddreg [dreg:$0x2];
	[bflag:$0x3] =	sbarrier.arrive $0xFFFF;
	s2 =	simm.s32 @!p0 $0x1C05  }
0xa1: {  	[timem:s3], [sflag:s2] =	dma.local @!p0 [hbm:s0], s1  }
0xa2: {  	s0 =	simm.s32 @!p0 $0x5  }
0xa3: {  	_ =	swait.ge @!p0 [sflag:s0], s1  }
0xa4: {  	s1 =	ssub.s32 @!p0 $0x0, s1;
	[sflag:s0] =	ssyncset.done @!p0 $0x0  }
0xa5: {  	[sflag:s0] =	ssyncadd.s32 @!p0 s1  }
0xa6: {  	[bflag:$0x3] =	sbarrier.arrive $0xFFFF  }
0xa7: {  	_ =	shalt  }

// kernel: kernel.14.cloned.1.call-start
scs
__scs_entry_jumppad:
0x0: {  	(pc) =	sbr.rel $0x88, $3  }
0x1: {  	(tag) =	ssettag $0x0;
	lr =	simm.s32 $0x1  }
0x2: {  	[smem:$0x3F8F] =	sst lr;
	_ =	strace $0xD0000000  }
0x3: {  	_ = 	snop  }
0x4: {  	_ = 	snop  }
0x5: {  	_ = 	snop  }
0x6: {  	_ = 	snop  }
0x7: {  	_ = 	snop  }
__scs_overlays_trampoline_lowered:
0x8: {  	[smem:$0x3F9E] =	sst s0  }
0x9: {  	[smem:$0x3F9F] =	sst s1  }
0xa: {  	[smem:$0x3FA0] =	sst s2  }
0xb: {  	[smem:$0x3FA1] =	sst s3  }
0xc: {  	[smem:$0x3FA2] =	sst s4  }
0xd: {  	[smem:$0x3FA3] =	sst s5  }
0xe: {  	[smem:$0x3FA4] =	sst s6  }
0xf: {  	[smem:$0x3FA5] =	sst s7  }
0x10: {  	[smem:$0x3FA6] =	sst s8  }
0x11: {  	[smem:$0x3FA7] =	sst s9;
	s0 =	simm.s32 @!p0 $0x0  }
0x12: {  	s1 =	sld [smem:$0x3F8D];
	s0 =	simm.s32 @p0 $0x1  }
0x13: {  	[smem:$0x3FA8] =	sst s0;
	s0 =	simm.s32 @!p1 $0x0  }
0x14: {  	s2 =	sld [smem:$0x3F8C];
	s0 =	simm.s32 @p1 $0x1  }
0x15: {  	[smem:$0x3FA9] =	sst s0;
	s0 =	simm.s32 @!p2 $0x0  }
0x16: {  	s3 =	sld [smem:$0x3FDB];
	s0 =	simm.s32 @p2 $0x1  }
0x17: {  	s4 =	simm.s32 $0x1BF5;
	[smem:$0x3FAB] =	sst s0  }
0x18: {  	s0 =	sld [smem:$0x3F8E];
	_ =	swait.ge [sflag:s4], $0x0  }
0x19: {  	s7 =	sld [smem:$0x3F8F]  }
0x1a: {  	s8 =	sadd.s32 $0xFFFFE003, lr  }
0x1b: {  	s9 =	sadd.s32 $0xFFFFFEF7, lr;
	s5 =	simm.s32 $0xFFFFFFFF;
	p2 =	slt.u32 s8, $0xFFFFF086  }
0x1c: {  	p1 =	slt.u32 s9, $0xF7A;
	s5 =	simm.s32 @!p2 $0x0  }
0x1d: {  	s5 =	simm.s32 @p1 $0x1;
	p0 =	seq.s32 s7, s2  }
0x1e: {  	s7 =	smul.u32 @!p0 $0xF7A, s2;
	p2 =	seq.s32 @!p0 s5, $0x0  }
0x1f: {  	s9 =	smul.u32 $0xF7A, s1;
	s8 =	simm.s32 @!p0 $0x1BF5;
	p2 =	por !p2, p0  }
0x20: {  	[sflag:s8] =	ssyncset.s32 @!p0 $0xFFFFF086;
	s6 =	sadd.s32 @!p0 s3, s7;
	s7 =	simm.s32 @!p0 $0x108  }
0x21: {  	s3 =	sadd.s32 s3, s9;
	s6 =	sadd.s32 @!p0 $0x88, s6;
	s7 =	simm.s32 @p2 $0x1082  }
0x22: {  	[simem:s7], [sflag:s8] =	dma.local @!p0 [hbm:s6], $0xF7A  }
0x23: {  	s9 =	sor.u32 $0xD0000000, s2;
	s6 =	simm.s32 $0x108;
	_ =	swait.ge @!p0 [sflag:s8], $0x0  }
0x24: {  	s3 =	sadd.s32 $0x88, s3;
	s6 =	simm.s32 @!p1 $0x1082;
	[sflag:s4] =	ssyncset.s32 $0xFFFFF086  }
0x25: {  	[simem:s6], [sflag:s4] =	dma.local [hbm:s3], $0xF7A  }
0x26: {  	[smem:$0x3F8F] =	sst s1;
	(tag) =	ssettag s2;
	_ =	strace s9  }
0x27: {  	s1 =	sld [smem:$0x3F9F]  }
0x28: {  	s2 =	sld [smem:$0x3FA0]  }
0x29: {  	s4 =	sld [smem:$0x3FA2]  }
0x2a: {  	p0 =	seq.s32 s5, $0x0;
	s5 =	sld [smem:$0x3FA3]  }
0x2b: {  	s6 =	sld [smem:$0x3FA4]  }
0x2c: {  	s7 =	sld [smem:$0x3FA5]  }
0x2d: {  	s3 =	simm.s32 $0x108;
	s8 =	sld [smem:$0x3FA6]  }
0x2e: {  	s3 =	simm.s32 @!p0 $0x1082;
	s9 =	sld [smem:$0x3FA7]  }
0x2f: {  	lr =	sadd.s32 s0, s3;
	s0 =	sld [smem:$0x3F9E]  }
0x30: {  	s3 =	sld [smem:$0x3FA1]  }
0x31: {  	[smem:$0x3FAA] =	sst s10  }
0x32: {  	s10 =	sld [smem:$0x3FA8];
	_ =	sdelay $0x3  }
0x33: {  	p0 =	seq.s32 s10, $0x1;
	s10 =	sld [smem:$0x3FAA];
	_ =	sdelay $0x3  }
0x34: {  	[smem:$0x3FAA] =	sst s10  }
0x35: {  	s10 =	sld [smem:$0x3FA9];
	_ =	sdelay $0x3  }
0x36: {  	p1 =	seq.s32 s10, $0x1;
	s10 =	sld [smem:$0x3FAA];
	_ =	sdelay $0x3  }
0x37: {  	[smem:$0x3FAA] =	sst s10  }
0x38: {  	s10 =	sld [smem:$0x3FAB]  }
0x39: {  	_ = 	snop;
	(pc) =	sbr.ind lr, $3  }
0x3a: {  	_ = 	snop  }
0x3b: {  	_ = 	snop  }
0x3c: {  	p2 =	seq.s32 s10, $0x1;
	s10 =	sld [smem:$0x3FAA]  }
0x3d: {  	_ =	shalt  }
0x3e: {  	_ =	shalt  }
0x3f: {  	_ =	shalt  }
0x40: {  	_ =	shalt  }
0x41: {  	_ =	shalt  }
0x42: {  	_ =	shalt  }
0x43: {  	_ =	shalt  }
0x44: {  	_ =	shalt  }
0x45: {  	_ =	shalt  }
0x46: {  	_ =	shalt  }
0x47: {  	_ =	shalt  }
0x48: {  	_ =	shalt  }
0x49: {  	_ =	shalt  }
0x4a: {  	_ =	shalt  }
0x4b: {  	_ =	shalt  }
0x4c: {  	_ =	shalt  }
0x4d: {  	_ =	shalt  }
0x4e: {  	_ =	shalt  }
0x4f: {  	_ =	shalt  }
0x50: {  	_ =	shalt  }
0x51: {  	_ =	shalt  }
0x52: {  	_ =	shalt  }
0x53: {  	_ =	shalt  }
0x54: {  	_ =	shalt  }
0x55: {  	_ =	shalt  }
0x56: {  	_ =	shalt  }
0x57: {  	_ =	shalt  }
0x58: {  	_ =	shalt  }
0x59: {  	_ =	shalt  }
0x5a: {  	_ =	shalt  }
0x5b: {  	_ =	shalt  }
0x5c: {  	_ =	shalt  }
0x5d: {  	_ =	shalt  }
0x5e: {  	_ =	shalt  }
0x5f: {  	_ =	shalt  }
0x60: {  	_ =	shalt  }
0x61: {  	_ =	shalt  }
0x62: {  	_ =	shalt  }
0x63: {  	_ =	shalt  }
0x64: {  	_ =	shalt  }
0x65: {  	_ =	shalt  }
0x66: {  	_ =	shalt  }
0x67: {  	_ =	shalt  }
0x68: {  	_ =	shalt  }
0x69: {  	_ =	shalt  }
0x6a: {  	_ =	shalt  }
0x6b: {  	_ =	shalt  }
0x6c: {  	_ =	shalt  }
0x6d: {  	_ =	shalt  }
0x6e: {  	_ =	shalt  }
0x6f: {  	_ =	shalt  }
0x70: {  	_ =	shalt  }
0x71: {  	_ =	shalt  }
0x72: {  	_ =	shalt  }
0x73: {  	_ =	shalt  }
0x74: {  	_ =	shalt  }
0x75: {  	_ =	shalt  }
0x76: {  	_ =	shalt  }
0x77: {  	_ =	shalt  }
0x78: {  	_ =	shalt  }
0x79: {  	_ =	shalt  }
0x7a: {  	_ =	shalt  }
0x7b: {  	_ =	shalt  }
0x7c: {  	_ =	shalt  }
0x7d: {  	_ =	shalt  }
0x7e: {  	_ =	shalt  }
0x7f: {  	_ =	shalt  }
0x80: {  	_ =	shalt  }
0x81: {  	_ =	shalt  }
0x82: {  	_ =	shalt  }
0x83: {  	_ =	shalt  }
0x84: {  	_ =	shalt  }
0x85: {  	_ =	shalt  }
0x86: {  	_ =	shalt  }
0x87: {  	_ =	shalt  }
.Lfunc_end0:
.L_simem_size_0:
called_computation.2_lowered:
.L_overlay_start_0:
0x88: {  	s2 =	sld [smem:$0x3FD9]  }
0x89: {  	s3 =	sld [smem:$0x3FFE];
	_ =	sdelay $0x1  }
0x8a: {  	s1 =	srdreg.scid  }
0x8b: {  	s0 =	sand.u32 $0x1, s1  }
0x8c: {  	s17 =	sshll.u32 s0, $0xA;
	s2 =	sadd.s32 s3, s2  }
0x8d: {  	s2 =	sadd.s32 s2, s17  }
0x8e: {  	[smem:$0x3FB6] =	sst s2  }
0x8f: {  	_ = 	snop  }
0x90: {  	s2 =	sld [smem:$0x3FD0];
	(tm) =	ssettm $0x1  }
0x91: {  	s18 =	sld [smem:$0x3FFB];
	_ =	sdelay $0x3  }
0x92: {  	_ =	strace s18  }
0x93: {  	s3 =	sld [smem:$0x3FFC];
	_ =	sdelay $0x3  }
0x94: {  	_ =	strace s3  }
0x95: {  	s3 =	sld [smem:$0x3FFD];
	_ =	sdelay $0x3  }
0x96: {  	_ =	strace s3  }
0x97: {  	_ =	strace $0x8FFFFFFF  }
0x98: {  	s19 =	sld [smem:$0x3FDB];
	_ =	sdelay $0x1  }
0x99: {  	s4 =	simm.s32 $_scs_section_size  }
0x9a: {  	s5 =	simm.s32 $_size__tile_overlayer_lowered;
	s6 =	simm.s32 $_tile_overlayer_lowered  }
0x9b: {  	s22 =	simm.s32 $0x1BFF;
	s21 =	sshll.u32 s6, $0x1;
	s3 =	sadd.s32 s4, s19  }
0x9c: {  	s7 =	simm.s32 $0x0;
	s20 =	sshll.u32 s5, $0x1;
	s5 =	sadd.s32 s21, s3  }
0x9d: {  	[timem:s7], [sflag:s22] =	dma.local [hbm:s5], s20  }
0x9e: {  	_ =	swait.ge [sflag:s22], s20  }
0x9f: {  	s4 =	ssub.s32 $0x0, s20;
	[sflag:s22] =	ssyncset.done $0x0  }
0xa0: {  	[sflag:s22] =	ssyncadd.s32 s4;
	_ =	sdelay $0x1  }
0xa1: {  	s23 =	simm.s32 $0x1B8B  }
0xa2: {  	_ =	swait.ge [sflag:s23], $0x1  }
0xa3: {  	[sflag:s23] =	ssyncset.done $0x0  }
0xa4: {  	s25 =	simm.s32 $0x1B8E;
	s24 =	sld [smem:$0x3FFE];
	[sflag:s23] =	ssyncadd.s32 $0xFFFFFFFF  }
0xa5: {  	s26 =	simm.s32 $execute0_lowered;
	[smem:$0x3FD2] =	sst s25  }
0xa6: {  	s5 =	sshll.u32 s26, $0x1;
	_ =	strace $0x8000004C;
	[dreg:$0x1] =	wrdreg $0xFFFFFFFF  }
0xa7: {  	s28 =	simm.s32 $_size_execute0_lowered;
	s3 =	sadd.s32 s3, s5;
	[dreg:$0x0] =	wrdreg $0x0  }
0xa8: {  	s5 =	sshll.u32 s28, $0x1;
	[dreg:$0x2] =	wrdreg s3  }
0xa9: {  	[dreg:$0x3] =	wrdreg s5  }
0xaa: {  	[dreg:$0x4] =	wrdreg $0xC0  }
0xab: {  	_ =	task [dreg:s7], $0x5FFFF  }
0xac: {  	[dreg:$0x1] =	wrdreg $0xFFFFFFFF  }
0xad: {  	[dreg:$0x0] =	wrdreg $0x60  }
0xae: {  	[dreg:$0x2] =	wrdreg s24  }
0xaf: {  	[dreg:$0x3] =	wrdreg s2  }
0xb0: {  	[dreg:$0x4] =	wrdreg $0xA9000  }
0xb1: {  	[dreg:$0x5] =	wrdreg $0x9  }
0xb2: {  	_ =	task.clear_ibuf [dreg:s7], $0x6FFFF;
	_ =	strace $0x9000004C  }
0xb3: {  	s29 =	simm.s32 $0x9;
	_ =	strace $0x8000004E  }
0xb4: {  	_ =	swait.ge [sflag:s29], $0x1  }
0xb5: {  	[sflag:s29] =	ssyncadd.s32 $0xFFFFFFFF  }
0xb6: {  	_ =	strace $0x9000004E  }
0xb7: {  	_ =	sfence  }
0xb8: {  	s30 =	sld [smem:$0x0];
	_ =	sdelay $0x2  }
0xb9: {  	s31 =	sshll.u32 s1, $0xD;
	s1 =	sshrl.u32 s1, $0x2  }
0xba: {  	s3 =	sand.u32 $0x4000, s31;
	s1 =	sadd.s32 s1, s30  }
0xbb: {  	s0 =	sor.u32 s3, s0;
	s1 =	sshll.u32 s1, $0x11  }
0xbc: {  	s0 =	sor.u32 s1, s0  }
0xbd: {  	s0 =	sadd.s32 $0x8F2B, s0  }
0xbe: {  	[sflag:s0] =	ssyncadd.remote.s32 $0x1  }
0xbf: {  	_ =	sfence.sel $0xFFFF  }
0xc0: {  	[dreg:$0x0] =	wrdreg $0xFFFFFFFF;
	(pc) =	sbr.abs _section_cstart, $3  }
0xc1: {  	[dreg:$0x1] =	wrdreg $0xFFFFFFFF  }
0xc2: {  	_ =	task.clear_ibuf [dreg:s7], $0x2FFFF;
	_ =	strace $0x9FFFFFFF  }
0xc3: {  	(tm) =	ssettm $0x7FFFFFFF  }
tec
execute0_lowered:
.L_overlay_start_1:
0x0: {  	(tag) =	ssettag $0x1  }
0x1: {  	s1 =	rddreg [dreg:$0x0]  }
0x2: {  	s2 =	rddreg [dreg:$0x1];
	s4 =	srdreg.scid  }
0x3: {  	s0 =	stileid.u32;
	s3 =	rddreg [dreg:$0x2];
	s20 =	simm.s32 $0x2880  }
0x4: {  	s21 =	simm.s32 $0x80;
	s22 =	simm.s32 $0x2900;
	s23 =	simm.s32 $0x6900  }
0x5: {  	s28 =	simm.s32 $0x2;
	s29 =	simm.s32 $0x0;
	s10 =	smul.u32 $0x4E000, s0  }
0x6: {  	s12 =	sand.u32 $0x1, s4;
	s5 =	sshll.u32 s0, $0x1;
	s13 =	smul.u32 $0x2700, s0  }
0x7: {  	s4 =	simm.s32 $0x0;
	s17 =	sadd.s32 $0x2E00, s1;
	s16 =	smul.u32 $0x13800, s0  }
0x8: {  	p4 =	sne.s32 s0, $0xF;
	p0 =	seq.s32 s0, $0xF;
	s18 =	smul.u32 $0x5000, s0  }
0x9: {  	s5 =	sor.u32 s12, s5;
	[smem:$0x7FF] =	sst s4;
	s14 =	smul.u32 $0x138800, s12  }
0xa: {  	s7 =	ssub.s32 $0x2, s12;
	p1 =	seq.s32 s12, $0x0;
	s19 =	smul.u32 $0x2800, s12  }
0xb: {  	s6 =	smul.u32 $0x2800, s5;
	_ =	strace $0x8000004D;
	s5 =	sadd.s32 $0x16E00, s1  }
0xc: {  	s9 =	sshrl.u32 s7, $0x1;
	p2 =	por !p4, !p1;
	p3 =	por !p0, !p1  }
0xd: {  	s10 =	sshrl.u32 s10, $0x2;
	s15 =	ssub.s32 s7, s9;
	p1 =	por !p2, !p2  }
0xe: {  	p2 =	por !p3, !p3;
	s9 =	sadd.s32 $0x124800, s3;
	s10 =	sadd.s32 s10, s3  }
0xf: {  	p3 =	seq.s32 s12, $0x1;
	s11 =	sadd.s32 s5, s13;
	s12 =	sadd.s32 s2, s13  }
0x10: {  	s24 =	sadd.s32 s16, s14;
	s14 =	sshrl.u32 s14, $0x3;
	s25 =	sadd.s32 s19, s18  }
0x11: {  	s19 =	simm.s32 $0x2800;
	s6 =	sshrl.u32 s6, $0x3;
	p4 =	por !p4, !p3  }
0x12: {  	s13 =	sshrl.u32 s24, $0x3;
	s18 =	sor.u32 $0x100, s25;
	s30 =	sor.u32 $0x180, s25  }
0x13: {  	s15 =	smax.u32 s15, $0x1;
	s24 =	simm.s32 $0x3;
	s25 =	simm.s32 $0x1  }
0x14: {  	s8 =	sadd.s32 s6, s1;
	s1 =	sadd.s32 $0x3E000, s1;
	s6 =	sadd.s32 s17, s6  }
0x15: {  	p4 =	por !p4, !p4;
	s26 =	sshrl.u32 s18, $0x3;
	s31 =	sshrl.u32 s30, $0x3  }
0x16: {  	s18 =	simm.s32 $0x5;
	s7 =	sadd.s32 $0xCE00, s8;
	s8 =	sadd.s32 $0x10, s6  }
0x17: {  	s13 =	sadd.s32 s1, s13;
	s1 =	sadd.s32 s1, s14;
	s16 =	sadd.s32 s26, s17  }
0x18: {  	s17 =	sadd.s32 s31, s17;
	s26 =	simm.s32 $0x4;
	s14 =	sadd.s32 $0x24900, s1  }
.LBB2_1:
0x19: {  	[tilespmem:s4], [sflag:$0x5] =	stream.linear.gather [hbm4b:s7+s4], $0x2800, $0x38;
	[tilespmem:$0x1E980] =	vst v63  }
0x1a: {  	_ =	swait.ge [sflag:s18], $0x2800  }
0x1b: {  	[sflag:s18] =	ssyncset.done $0x0  }
0x1c: {  	[sflag:s18] =	ssyncadd.s32 $0xFFFFD800  }
0x1d: {  	[tilespmem:s19], [sflag:$0x3] =	stream.linear.gather [hbm4b:s6+s4], $0x80, $0x38;
	[tilespmem:$0x1E980] =	vst v63  }
0x1e: {  	_ = 	snop  }
0x1f: {  	[tilespmem:s20], [sflag:$0x4] =	stream.linear.gather [hbm4b:s8+s4], $0x80, $0x38;
	[tilespmem:$0x1E980] =	vst v63  }
.Ltmp0:
0x20: {  	_ = 	snop;
	(pc) =	sbr.rel @!p1 .LBB2_4-.Ltmp0, $4  }
0x21: {  	_ = 	snop  }
0x22: {  	[tilespmem:s22], [sflag:$0x1] =	stream.indirect.gather [hbm4b:s5+s21], $0x80, s4, s21, $0xb8;
	[tilespmem:$0x1E980] =	vst v63  }
0x23: {  	_ = 	snop  }
0x24: {  	[tilespmem:s23], [sflag:$0x2] =	stream.indirect.gather [hbm4b:s5+s21], $0x80, s21, s21, $0xb8;
	[tilespmem:$0x1E980] =	vst v63  }
0x25: {  	s1 =	sshll.u32 s0, $0x6  }
.Ltmp1:
0x26: {  	s30 =	sshrl.u32 s10, $0x3;
	s1 =	sor.u32 $0x1C05, s1;
	(pc) =	sbr.rel .LBB2_3-.Ltmp1, $4  }
0x27: {  	[spmem:s30], [sflag:s1] =	dma.local [hbm:s11], $0x2700  }
0x28: {  	_ =	swait.ge [sflag:s18], $0x2700  }
0x29: {  	[sflag:s18] =	ssyncset.done $0x0  }
0x2a: {  	p5 =	por $0x0, $0x0;
	[sflag:s18] =	ssyncadd.s32 $0xFFFFD900  }
.LBB2_4:
.Ltmp2:
0x2b: {  	(pc) =	sbr.rel @!p2 .LBB2_3-.Ltmp2, $2  }
0x2c: {  	_ =	sdelay $0x2  }
0x2d: {  	p5 =	por p0, p0  }
.Ltmp3:
0x2e: {  	(pc) =	sbr.rel .LBB2_6-.Ltmp3, $2  }
0x2f: {  	_ =	sdelay $0x2  }
0x30: {  	p5 =	por $0x1, $0x1;
	s30 =	simm.s32 $0xF;
	s1 =	smov.u32 s5  }
.LBB2_3:
0x31: {  	s1 =	sshll.u32 @p4 s0, $0x6;
	p6 =	por @p4 $0x1, $0x1  }
0x32: {  	s30 =	sshrl.u32 @p4 s10, $0x3;
	s1 =	sor.u32 @p4 $0x1C05, s1;
	p6 =	por @!p4 p3, p3  }
0x33: {  	[spmem:s30], [sflag:s1] =	dma.local @p4 [hbm:s12], $0x2700  }
0x34: {  	p6 =	por !p6, !p5  }
0x35: {  	p6 =	por !p6, !p6  }
.Ltmp4:
0x36: {  	s1 =	simm.s32 @p4 $0x5;
	(pc) =	sbr.rel @!p6 .LBB2_7-.Ltmp4, $4  }
0x37: {  	_ =	swait.ge @p4 [sflag:s1], $0x2700  }
0x38: {  	[sflag:s1] =	ssyncset.done @p4 $0x0  }
0x39: {  	[sflag:s1] =	ssyncadd.s32 @p4 $0xFFFFD900  }
0x3a: {  	s30 =	stileid.u32;
	s1 =	rddreg [dreg:$0x1]  }
.LBB2_6:
0x3b: {  	s30 =	sshll.u32 s30, $0x6  }
0x3c: {  	s1 =	sadd.s32 $0x24900, s1;
	s31 =	sshrl.u32 s9, $0x3;
	s30 =	sor.u32 $0x1C05, s30  }
0x3d: {  	[spmem:s31], [sflag:s30] =	dma.local [hbm:s1], $0x2800  }
0x3e: {  	_ =	swait.ge [sflag:s18], $0x2800  }
0x3f: {  	[sflag:s18] =	ssyncset.done $0x0  }
0x40: {  	[sflag:s18] =	ssyncadd.s32 $0xFFFFD800  }
.LBB2_7:
0x41: {  	[bflag:$0x0] =	sbarrier.arrive $0xFFFF  }
0x42: {  	_ =	swait.ge [sflag:s24], $0x80  }
0x43: {  	[sflag:s24] =	ssyncset.done $0x0  }
0x44: {  	[sflag:s24] =	ssyncadd.s32 $0xFFFFFF80  }
0x45: {  	_ =	swait.ge [sflag:s25], $0x4000  }
0x46: {  	[sflag:s25] =	ssyncset.done $0x0  }
0x47: {  	[sflag:s25] =	ssyncadd.s32 $0xFFFFC000  }
0x48: {  	[spmem:s3] =	stream.indirect.scatter.add.f32 [tilespmem:s22], [sflag:$0x5], $0x80, s19, s21, $0xb8;
	[tilespmem:$0x1E980] =	vst v63  }
0x49: {  	_ =	swait.ge [sflag:s18], $0x4000  }
0x4a: {  	[sflag:s18] =	ssyncset.done $0x0  }
0x4b: {  	s1 =	sadd.s32 $0x0, s16;
	[sflag:s18] =	ssyncadd.s32 $0xFFFFC000  }
0x4c: {  	[tilespmem:s19], [sflag:$0x3] =	stream.linear.gather [hbm4b:s1+s4], $0x80, $0x38;
	[tilespmem:$0x1E980] =	vst v63  }
0x4d: {  	s2 =	simm.s32 $0x100  }
0x4e: {  	[tilespmem:s22], [sflag:$0x1] =	stream.indirect.gather [hbm4b:s5+s21], $0x80, s2, s21, $0xb8;
	[tilespmem:$0x1E980] =	vst v63  }
0x4f: {  	_ =	swait.ge [sflag:s26], $0x80  }
0x50: {  	[sflag:s26] =	ssyncset.done $0x0  }
0x51: {  	[sflag:s26] =	ssyncadd.s32 $0xFFFFFF80  }
0x52: {  	_ =	swait.ge [sflag:s28], $0x4000  }
0x53: {  	[sflag:s28] =	ssyncset.done $0x0  }
0x54: {  	[sflag:s28] =	ssyncadd.s32 $0xFFFFC000  }
0x55: {  	[spmem:s3] =	stream.indirect.scatter.add.f32 [tilespmem:s23], [sflag:$0x5], $0x80, s20, s21, $0xb8;
	[tilespmem:$0x1E980] =	vst v63  }
0x56: {  	_ =	swait.ge [sflag:s18], $0x4000  }
0x57: {  	s30 =	simm.s32 $0x20;
	s31 =	simm.s32 $0x200;
	[sflag:s18] =	ssyncset.done $0x0  }
0x58: {  	s1 =	simm.s32 $0x180;
	s2 =	sadd.s32 $0x0, s17;
	[sflag:s18] =	ssyncadd.s32 $0xFFFFC000  }
0x59: {  	[tilespmem:s20], [sflag:$0x4] =	stream.linear.gather [hbm4b:s2+s4], $0x80, $0x38;
	[tilespmem:$0x1E980] =	vst v63  }
.LBB2_8:
0x5a: {  	[tilespmem:s23], [sflag:$0x2] =	stream.indirect.gather [hbm4b:s5+s21], $0x80, s1, s21, $0xb8;
	[tilespmem:$0x1E980] =	vst v63  }
0x5b: {  	s1 =	smov.u32 s30  }
0x5c: {  	p6 =	sne.s32 s30, $0x4C0;
	s30 =	sadd.s32 $0x20, s30;
	_ =	swait.ge [sflag:s24], $0x80  }
0x5d: {  	[sflag:s24] =	ssyncset.done $0x0  }
0x5e: {  	[sflag:s24] =	ssyncadd.s32 $0xFFFFFF80  }
0x5f: {  	_ =	swait.ge [sflag:s25], $0x4000  }
0x60: {  	[sflag:s25] =	ssyncset.done $0x0  }
0x61: {  	[sflag:s25] =	ssyncadd.s32 $0xFFFFC000  }
0x62: {  	[spmem:s3] =	stream.indirect.scatter.add.f32 [tilespmem:s22], [sflag:$0x5], $0x80, s19, s21, $0xb8;
	[tilespmem:$0x1E980] =	vst v63  }
0x63: {  	_ =	swait.ge [sflag:s18], $0x4000  }
0x64: {  	[sflag:s18] =	ssyncset.done $0x0  }
0x65: {  	s2 =	sadd.s32 s1, s16;
	[sflag:s18] =	ssyncadd.s32 $0xFFFFC000  }
0x66: {  	[tilespmem:s19], [sflag:$0x3] =	stream.linear.gather [hbm4b:s2+s4], $0x80, $0x38;
	[tilespmem:$0x1E980] =	vst v63  }
0x67: {  	_ = 	snop  }
0x68: {  	[tilespmem:s22], [sflag:$0x1] =	stream.indirect.gather [hbm4b:s5+s21], $0x80, s31, s21, $0xb8;
	[tilespmem:$0x1E980] =	vst v63  }
0x69: {  	_ =	swait.ge [sflag:s26], $0x80  }
0x6a: {  	[sflag:s26] =	ssyncset.done $0x0  }
0x6b: {  	[sflag:s26] =	ssyncadd.s32 $0xFFFFFF80  }
0x6c: {  	_ =	swait.ge [sflag:s28], $0x4000  }
0x6d: {  	[sflag:s28] =	ssyncset.done $0x0  }
0x6e: {  	[sflag:s28] =	ssyncadd.s32 $0xFFFFC000  }
0x6f: {  	[spmem:s3] =	stream.indirect.scatter.add.f32 [tilespmem:s23], [sflag:$0x5], $0x80, s20, s21, $0xb8;
	[tilespmem:$0x1E980] =	vst v63  }
.Ltmp5:
0x70: {  	_ =	swait.ge [sflag:s18], $0x4000;
	(pc) =	sbr.rel @p6 .LBB2_8-.Ltmp5, $4  }
0x71: {  	[sflag:s18] =	ssyncset.done $0x0  }
0x72: {  	s1 =	sadd.s32 s1, s17;
	[sflag:s18] =	ssyncadd.s32 $0xFFFFC000  }
0x73: {  	[tilespmem:s20], [sflag:$0x4] =	stream.linear.gather [hbm4b:s1+s4], $0x80, $0x38;
	[tilespmem:$0x1E980] =	vst v63  }
0x74: {  	s1 =	sadd.s32 $0x80, s31;
	s31 =	sadd.s32 $0x100, s31  }
0x75: {  	[tilespmem:s23], [sflag:$0x2] =	stream.indirect.gather [hbm4b:s5+s21], $0x80, s1, s21, $0xb8;
	[tilespmem:$0x1E980] =	vst v63  }
0x76: {  	_ =	swait.ge [sflag:s24], $0x80  }
0x77: {  	[sflag:s24] =	ssyncset.done $0x0  }
0x78: {  	[sflag:s24] =	ssyncadd.s32 $0xFFFFFF80  }
0x79: {  	_ =	swait.ge [sflag:s25], $0x4000  }
0x7a: {  	[sflag:s25] =	ssyncset.done $0x0  }
0x7b: {  	[sflag:s25] =	ssyncadd.s32 $0xFFFFC000  }
0x7c: {  	[spmem:s3] =	stream.indirect.scatter.add.f32 [tilespmem:s22], [sflag:$0x5], $0x80, s19, s21, $0xb8;
	[tilespmem:$0x1E980] =	vst v63  }
0x7d: {  	_ =	swait.ge [sflag:s18], $0x4000  }
0x7e: {  	[sflag:s18] =	ssyncset.done $0x0  }
0x7f: {  	[sflag:s18] =	ssyncadd.s32 $0xFFFFC000  }
0x80: {  	_ =	swait.ge [sflag:s26], $0x80  }
0x81: {  	[sflag:s26] =	ssyncset.done $0x0  }
0x82: {  	[sflag:s26] =	ssyncadd.s32 $0xFFFFFF80  }
0x83: {  	_ =	swait.ge [sflag:s28], $0x4000  }
0x84: {  	[sflag:s28] =	ssyncset.done $0x0  }
0x85: {  	[sflag:s28] =	ssyncadd.s32 $0xFFFFC000  }
0x86: {  	[spmem:s3] =	stream.indirect.scatter.add.f32 [tilespmem:s23], [sflag:$0x5], $0x80, s20, s21, $0xb8;
	[tilespmem:$0x1E980] =	vst v63  }
0x87: {  	_ =	swait.ge [sflag:s18], $0x4000  }
0x88: {  	[sflag:s18] =	ssyncset.done $0x0  }
0x89: {  	s1 =	sshll.u32 @!p0 s0, $0x6;
	[sflag:s18] =	ssyncadd.s32 $0xFFFFC000  }
0x8a: {  	s2 =	sshrl.u32 @!p0 s10, $0x3;
	s1 =	sor.u32 @!p0 $0x1C05, s1;
	[bflag:$0x0] =	sbarrier.arrive $0xFFFF  }
0x8b: {  	[hbm:s13], [sflag:s1] =	dma.local @!p0 [spmem:s2], $0x2700  }
0x8c: {  	s1 =	simm.s32 @!p0 $0x5  }
0x8d: {  	s29 =	sadd.s32 $0x1, s29;
	_ =	swait.ge @!p0 [sflag:s1], $0x2700  }
0x8e: {  	p6 =	sne.s32 s29, s15;
	s2 =	sshll.u32 @p5 s0, $0x6;
	[sflag:s1] =	ssyncset.done @!p0 $0x0  }
0x8f: {  	[sflag:s1] =	ssyncadd.s32 @!p0 $0xFFFFD900;
	s1 =	sor.u32 @p5 $0x1C05, s2;
	s2 =	sshrl.u32 @p5 s9, $0x3  }
0x90: {  	[hbm:s14], [sflag:s1] =	dma.local @p5 [spmem:s2], $0x2800  }
.Ltmp6:
0x91: {  	_ = 	snop;
	(pc) =	sbr.rel @p6 .LBB2_1-.Ltmp6, $4  }
0x92: {  	s1 =	simm.s32 @p5 $0x5  }
0x93: {  	_ =	swait.ge @p5 [sflag:s1], $0x2800  }
0x94: {  	[sflag:s1] =	ssyncset.done @p5 $0x0  }
0x95: {  	[sflag:s1] =	ssyncadd.s32 @p5 $0xFFFFD800  }
0x96: {  	_ =	sfence.sel $0x180000  }
0x97: {  	[bflag:$0x0] =	sbarrier.arrive $0xFFFF  }
0x98: {  	_ =	strace $0x9000004D  }
0x99: {  	[bflag:$0x2] =	sbarrier.arrive $0xFFFF  }
0x9a: {  	p0 =	sne.s32 s0, $0x0;
	s0 =	rddreg [dreg:$0x3]  }
0x9b: {  	s0 =	sadd.s32 @!p0 $0x100000, s0  }
0x9c: {  	[sflag:s0] =	ssyncadd.tile.s32 @!p0 $0x1;
	_ =	shalt  }
.Lfunc_end2:
_tile_overlayer_lowered:
.L_overlay_start_2:
0x9d: {  	(tag) =	ssettag $0x2  }
0x9e: {  	s0 =	rddreg [dreg:$0x0];
	s2 =	stileid.u32  }
0x9f: {  	s1 =	rddreg [dreg:$0x1];
	p0 =	sne.s32 s2, $0x0  }
0xa0: {  	s3 =	rddreg [dreg:$0x2];
	[bflag:$0x3] =	sbarrier.arrive $0xFFFF;
	s2 =	simm.s32 @!p0 $0x1C05  }
0xa1: {  	[timem:s3], [sflag:s2] =	dma.local @!p0 [hbm:s0], s1  }
0xa2: {  	s0 =	simm.s32 @!p0 $0x5  }
0xa3: {  	_ =	swait.ge @!p0 [sflag:s0], s1  }
0xa4: {  	s1 =	ssub.s32 @!p0 $0x0, s1;
	[sflag:s0] =	ssyncset.done @!p0 $0x0  }
0xa5: {  	[sflag:s0] =	ssyncadd.s32 @!p0 s1  }
0xa6: {  	[bflag:$0x3] =	sbarrier.arrive $0xFFFF  }
0xa7: {  	_ =	shalt  }

// kernel: kernel.8.cloned.1.call-start
scs
__scs_entry_jumppad:
0x0: {  	(pc) =	sbr.rel $0x88, $3  }
0x1: {  	(tag) =	ssettag $0x0;
	lr =	simm.s32 $0x1  }
0x2: {  	[smem:$0x3F8F] =	sst lr;
	_ =	strace $0xD0000000  }
0x3: {  	_ = 	snop  }
0x4: {  	_ = 	snop  }
0x5: {  	_ = 	snop  }
0x6: {  	_ = 	snop  }
0x7: {  	_ = 	snop  }
__scs_overlays_trampoline_lowered:
0x8: {  	[smem:$0x3F9E] =	sst s0  }
0x9: {  	[smem:$0x3F9F] =	sst s1  }
0xa: {  	[smem:$0x3FA0] =	sst s2  }
0xb: {  	[smem:$0x3FA1] =	sst s3  }
0xc: {  	[smem:$0x3FA2] =	sst s4  }
0xd: {  	[smem:$0x3FA3] =	sst s5  }
0xe: {  	[smem:$0x3FA4] =	sst s6  }
0xf: {  	[smem:$0x3FA5] =	sst s7  }
0x10: {  	[smem:$0x3FA6] =	sst s8  }
0x11: {  	[smem:$0x3FA7] =	sst s9;
	s0 =	simm.s32 @!p0 $0x0  }
0x12: {  	s1 =	sld [smem:$0x3F8D];
	s0 =	simm.s32 @p0 $0x1  }
0x13: {  	[smem:$0x3FA8] =	sst s0;
	s0 =	simm.s32 @!p1 $0x0  }
0x14: {  	s2 =	sld [smem:$0x3F8C];
	s0 =	simm.s32 @p1 $0x1  }
0x15: {  	[smem:$0x3FA9] =	sst s0;
	s0 =	simm.s32 @!p2 $0x0  }
0x16: {  	s3 =	sld [smem:$0x3FDB];
	s0 =	simm.s32 @p2 $0x1  }
0x17: {  	s4 =	simm.s32 $0x1BF5;
	[smem:$0x3FAB] =	sst s0  }
0x18: {  	s0 =	sld [smem:$0x3F8E];
	_ =	swait.ge [sflag:s4], $0x0  }
0x19: {  	s7 =	sld [smem:$0x3F8F]  }
0x1a: {  	s8 =	sadd.s32 $0xFFFFE003, lr  }
0x1b: {  	s9 =	sadd.s32 $0xFFFFFEF7, lr;
	s5 =	simm.s32 $0xFFFFFFFF;
	p2 =	slt.u32 s8, $0xFFFFF086  }
0x1c: {  	p1 =	slt.u32 s9, $0xF7A;
	s5 =	simm.s32 @!p2 $0x0  }
0x1d: {  	s5 =	simm.s32 @p1 $0x1;
	p0 =	seq.s32 s7, s2  }
0x1e: {  	s7 =	smul.u32 @!p0 $0xF7A, s2;
	p2 =	seq.s32 @!p0 s5, $0x0  }
0x1f: {  	s9 =	smul.u32 $0xF7A, s1;
	s8 =	simm.s32 @!p0 $0x1BF5;
	p2 =	por !p2, p0  }
0x20: {  	[sflag:s8] =	ssyncset.s32 @!p0 $0xFFFFF086;
	s6 =	sadd.s32 @!p0 s3, s7;
	s7 =	simm.s32 @!p0 $0x108  }
0x21: {  	s3 =	sadd.s32 s3, s9;
	s6 =	sadd.s32 @!p0 $0x88, s6;
	s7 =	simm.s32 @p2 $0x1082  }
0x22: {  	[simem:s7], [sflag:s8] =	dma.local @!p0 [hbm:s6], $0xF7A  }
0x23: {  	s9 =	sor.u32 $0xD0000000, s2;
	s6 =	simm.s32 $0x108;
	_ =	swait.ge @!p0 [sflag:s8], $0x0  }
0x24: {  	s3 =	sadd.s32 $0x88, s3;
	s6 =	simm.s32 @!p1 $0x1082;
	[sflag:s4] =	ssyncset.s32 $0xFFFFF086  }
0x25: {  	[simem:s6], [sflag:s4] =	dma.local [hbm:s3], $0xF7A  }
0x26: {  	[smem:$0x3F8F] =	sst s1;
	(tag) =	ssettag s2;
	_ =	strace s9  }
0x27: {  	s1 =	sld [smem:$0x3F9F]  }
0x28: {  	s2 =	sld [smem:$0x3FA0]  }
0x29: {  	s4 =	sld [smem:$0x3FA2]  }
0x2a: {  	p0 =	seq.s32 s5, $0x0;
	s5 =	sld [smem:$0x3FA3]  }
0x2b: {  	s6 =	sld [smem:$0x3FA4]  }
0x2c: {  	s7 =	sld [smem:$0x3FA5]  }
0x2d: {  	s3 =	simm.s32 $0x108;
	s8 =	sld [smem:$0x3FA6]  }
0x2e: {  	s3 =	simm.s32 @!p0 $0x1082;
	s9 =	sld [smem:$0x3FA7]  }
0x2f: {  	lr =	sadd.s32 s0, s3;
	s0 =	sld [smem:$0x3F9E]  }
0x30: {  	s3 =	sld [smem:$0x3FA1]  }
0x31: {  	[smem:$0x3FAA] =	sst s10  }
0x32: {  	s10 =	sld [smem:$0x3FA8];
	_ =	sdelay $0x3  }
0x33: {  	p0 =	seq.s32 s10, $0x1;
	s10 =	sld [smem:$0x3FAA];
	_ =	sdelay $0x3  }
0x34: {  	[smem:$0x3FAA] =	sst s10  }
0x35: {  	s10 =	sld [smem:$0x3FA9];
	_ =	sdelay $0x3  }
0x36: {  	p1 =	seq.s32 s10, $0x1;
	s10 =	sld [smem:$0x3FAA];
	_ =	sdelay $0x3  }
0x37: {  	[smem:$0x3FAA] =	sst s10  }
0x38: {  	s10 =	sld [smem:$0x3FAB]  }
0x39: {  	_ = 	snop;
	(pc) =	sbr.ind lr, $3  }
0x3a: {  	_ = 	snop  }
0x3b: {  	_ = 	snop  }
0x3c: {  	p2 =	seq.s32 s10, $0x1;
	s10 =	sld [smem:$0x3FAA]  }
0x3d: {  	_ =	shalt  }
0x3e: {  	_ =	shalt  }
0x3f: {  	_ =	shalt  }
0x40: {  	_ =	shalt  }
0x41: {  	_ =	shalt  }
0x42: {  	_ =	shalt  }
0x43: {  	_ =	shalt  }
0x44: {  	_ =	shalt  }
0x45: {  	_ =	shalt  }
0x46: {  	_ =	shalt  }
0x47: {  	_ =	shalt  }
0x48: {  	_ =	shalt  }
0x49: {  	_ =	shalt  }
0x4a: {  	_ =	shalt  }
0x4b: {  	_ =	shalt  }
0x4c: {  	_ =	shalt  }
0x4d: {  	_ =	shalt  }
0x4e: {  	_ =	shalt  }
0x4f: {  	_ =	shalt  }
0x50: {  	_ =	shalt  }
0x51: {  	_ =	shalt  }
0x52: {  	_ =	shalt  }
0x53: {  	_ =	shalt  }
0x54: {  	_ =	shalt  }
0x55: {  	_ =	shalt  }
0x56: {  	_ =	shalt  }
0x57: {  	_ =	shalt  }
0x58: {  	_ =	shalt  }
0x59: {  	_ =	shalt  }
0x5a: {  	_ =	shalt  }
0x5b: {  	_ =	shalt  }
0x5c: {  	_ =	shalt  }
0x5d: {  	_ =	shalt  }
0x5e: {  	_ =	shalt  }
0x5f: {  	_ =	shalt  }
0x60: {  	_ =	shalt  }
0x61: {  	_ =	shalt  }
0x62: {  	_ =	shalt  }
0x63: {  	_ =	shalt  }
0x64: {  	_ =	shalt  }
0x65: {  	_ =	shalt  }
0x66: {  	_ =	shalt  }
0x67: {  	_ =	shalt  }
0x68: {  	_ =	shalt  }
0x69: {  	_ =	shalt  }
0x6a: {  	_ =	shalt  }
0x6b: {  	_ =	shalt  }
0x6c: {  	_ =	shalt  }
0x6d: {  	_ =	shalt  }
0x6e: {  	_ =	shalt  }
0x6f: {  	_ =	shalt  }
0x70: {  	_ =	shalt  }
0x71: {  	_ =	shalt  }
0x72: {  	_ =	shalt  }
0x73: {  	_ =	shalt  }
0x74: {  	_ =	shalt  }
0x75: {  	_ =	shalt  }
0x76: {  	_ =	shalt  }
0x77: {  	_ =	shalt  }
0x78: {  	_ =	shalt  }
0x79: {  	_ =	shalt  }
0x7a: {  	_ =	shalt  }
0x7b: {  	_ =	shalt  }
0x7c: {  	_ =	shalt  }
0x7d: {  	_ =	shalt  }
0x7e: {  	_ =	shalt  }
0x7f: {  	_ =	shalt  }
0x80: {  	_ =	shalt  }
0x81: {  	_ =	shalt  }
0x82: {  	_ =	shalt  }
0x83: {  	_ =	shalt  }
0x84: {  	_ =	shalt  }
0x85: {  	_ =	shalt  }
0x86: {  	_ =	shalt  }
0x87: {  	_ =	shalt  }
.Lfunc_end0:
.L_simem_size_0:
called_computation_lowered:
.L_overlay_start_0:
0x88: {  	s2 =	sld [smem:$0x3FD9]  }
0x89: {  	s3 =	sld [smem:$0x3FFE];
	_ =	sdelay $0x1  }
0x8a: {  	s1 =	srdreg.scid  }
0x8b: {  	s0 =	sand.u32 $0x1, s1  }
0x8c: {  	s17 =	sshll.u32 s0, $0xA;
	s2 =	sadd.s32 s3, s2  }
0x8d: {  	s2 =	sadd.s32 s2, s17  }
0x8e: {  	[smem:$0x3FB6] =	sst s2  }
0x8f: {  	_ = 	snop  }
0x90: {  	s2 =	sld [smem:$0x3FC9]  }
0x91: {  	s18 =	sld [smem:$0x3FD0];
	(tm) =	ssettm $0x1  }
0x92: {  	s4 =	sld [smem:$0x3FFB];
	_ =	sdelay $0x3  }
0x93: {  	_ =	strace s4  }
0x94: {  	s4 =	sld [smem:$0x3FFC];
	_ =	sdelay $0x3  }
0x95: {  	_ =	strace s4  }
0x96: {  	s4 =	sld [smem:$0x3FFD];
	_ =	sdelay $0x3  }
0x97: {  	_ =	strace s4  }
0x98: {  	_ =	strace $0x8FFFFFFF  }
0x99: {  	s19 =	sld [smem:$0x3FDB];
	_ =	sdelay $0x1  }
0x9a: {  	s5 =	simm.s32 $_scs_section_size  }
0x9b: {  	s6 =	simm.s32 $_size__tile_overlayer_lowered;
	s7 =	simm.s32 $_tile_overlayer_lowered  }
0x9c: {  	s22 =	simm.s32 $0x1BFF;
	s21 =	sshll.u32 s7, $0x1;
	s4 =	sadd.s32 s5, s19  }
0x9d: {  	s8 =	simm.s32 $0x0;
	s20 =	sshll.u32 s6, $0x1;
	s6 =	sadd.s32 s21, s4  }
0x9e: {  	[timem:s8], [sflag:s22] =	dma.local [hbm:s6], s20  }
0x9f: {  	_ =	swait.ge [sflag:s22], s20  }
0xa0: {  	s5 =	ssub.s32 $0x0, s20;
	[sflag:s22] =	ssyncset.done $0x0  }
0xa1: {  	[sflag:s22] =	ssyncadd.s32 s5;
	_ =	sdelay $0x1  }
0xa2: {  	s23 =	simm.s32 $0x1B8B  }
0xa3: {  	_ =	swait.ge [sflag:s23], $0x1  }
0xa4: {  	[sflag:s23] =	ssyncset.done $0x0  }
0xa5: {  	s25 =	simm.s32 $0x1B8E;
	s24 =	sld [smem:$0x3FFE];
	[sflag:s23] =	ssyncadd.s32 $0xFFFFFFFF  }
0xa6: {  	s26 =	simm.s32 $execute0_lowered;
	[smem:$0x3FD2] =	sst s25  }
0xa7: {  	s6 =	sshll.u32 s26, $0x1;
	_ =	strace $0x80000046;
	[dreg:$0x1] =	wrdreg $0xFFFFFFFF  }
0xa8: {  	s28 =	simm.s32 $_size_execute0_lowered;
	s4 =	sadd.s32 s4, s6;
	[dreg:$0x0] =	wrdreg $0x0  }
0xa9: {  	s6 =	sshll.u32 s28, $0x1;
	[dreg:$0x2] =	wrdreg s4  }
0xaa: {  	[dreg:$0x3] =	wrdreg s6  }
0xab: {  	[dreg:$0x4] =	wrdreg $0xC0  }
0xac: {  	_ =	task [dreg:s8], $0x5FFFF  }
0xad: {  	[dreg:$0x1] =	wrdreg $0xFFFFFFFF  }
0xae: {  	[dreg:$0x0] =	wrdreg $0x60  }
0xaf: {  	[dreg:$0x2] =	wrdreg s2  }
0xb0: {  	[dreg:$0x3] =	wrdreg s24  }
0xb1: {  	[dreg:$0x4] =	wrdreg s18  }
0xb2: {  	[dreg:$0x5] =	wrdreg $0xA9000  }
0xb3: {  	[dreg:$0x6] =	wrdreg $0x9  }
0xb4: {  	_ =	task.clear_ibuf [dreg:s8], $0x7FFFF;
	_ =	strace $0x90000046  }
0xb5: {  	s29 =	simm.s32 $0x9;
	_ =	strace $0x80000048  }
0xb6: {  	_ =	swait.ge [sflag:s29], $0x1  }
0xb7: {  	[sflag:s29] =	ssyncadd.s32 $0xFFFFFFFF  }
0xb8: {  	_ =	strace $0x90000048  }
0xb9: {  	_ =	sfence  }
0xba: {  	s30 =	sld [smem:$0x0];
	_ =	sdelay $0x2  }
0xbb: {  	s31 =	sshll.u32 s1, $0xD;
	s1 =	sshrl.u32 s1, $0x2  }
0xbc: {  	s3 =	sand.u32 $0x4000, s31;
	s1 =	sadd.s32 s1, s30  }
0xbd: {  	s0 =	sor.u32 s3, s0;
	s1 =	sshll.u32 s1, $0x11  }
0xbe: {  	s0 =	sor.u32 s1, s0  }
0xbf: {  	s0 =	sadd.s32 $0x8F2B, s0  }
0xc0: {  	[sflag:s0] =	ssyncadd.remote.s32 $0x1  }
0xc1: {  	_ =	sfence.sel $0xFFFF  }
0xc2: {  	[dreg:$0x0] =	wrdreg $0xFFFFFFFF;
	(pc) =	sbr.abs _section_cstart, $3  }
0xc3: {  	[dreg:$0x1] =	wrdreg $0xFFFFFFFF  }
0xc4: {  	_ =	task.clear_ibuf [dreg:s8], $0x2FFFF;
	_ =	strace $0x9FFFFFFF  }
0xc5: {  	(tm) =	ssettm $0x7FFFFFFF  }
tec
execute0_lowered:
.L_overlay_start_1:
0x0: {  	(tag) =	ssettag $0x1  }
0x1: {  	s1 =	rddreg [dreg:$0x0]  }
0x2: {  	s2 =	rddreg [dreg:$0x1];
	s4 =	srdreg.scid  }
0x3: {  	s0 =	stileid.u32;
	s3 =	rddreg [dreg:$0x2];
	s20 =	simm.s32 $0x2880  }
0x4: {  	s21 =	simm.s32 $0x80;
	s22 =	simm.s32 $0x2900;
	s23 =	simm.s32 $0x6900  }
0x5: {  	s28 =	simm.s32 $0x2;
	s29 =	simm.s32 $0x0;
	s10 =	smul.u32 $0x4E000, s0  }
0x6: {  	s12 =	sand.u32 $0x1, s4;
	s5 =	sshll.u32 s0, $0x1;
	s13 =	smul.u32 $0x2700, s0  }
0x7: {  	s4 =	rddreg [dreg:$0x3];
	s17 =	sadd.s32 $0x2E00, s2;
	s16 =	smul.u32 $0x13800, s0  }
0x8: {  	p4 =	sne.s32 s0, $0xF;
	p0 =	seq.s32 s0, $0xF;
	s18 =	smul.u32 $0x5000, s0  }
0x9: {  	s6 =	sor.u32 s12, s5;
	s5 =	simm.s32 $0x0;
	s14 =	smul.u32 $0x138800, s12  }
0xa: {  	s7 =	ssub.s32 $0x2, s12;
	p1 =	seq.s32 s12, $0x0;
	s19 =	smul.u32 $0x2800, s12  }
0xb: {  	s6 =	smul.u32 $0x2800, s6;
	[smem:$0x7FF] =	sst s5;
	s9 =	sshrl.u32 s7, $0x1  }
0xc: {  	p2 =	por !p4, !p1;
	p3 =	por !p0, !p1;
	s10 =	sshrl.u32 s10, $0x2  }
0xd: {  	s11 =	sadd.s32 s1, s13;
	_ =	strace $0x80000047;
	s15 =	ssub.s32 s7, s9  }
0xe: {  	p1 =	por !p2, !p2;
	p2 =	por !p3, !p3;
	s9 =	sadd.s32 $0x124800, s4  }
0xf: {  	s10 =	sadd.s32 s10, s4;
	p3 =	seq.s32 s12, $0x1;
	s12 =	sadd.s32 s3, s13  }
0x10: {  	s24 =	sadd.s32 s16, s14;
	s14 =	sshrl.u32 s14, $0x3;
	s25 =	sadd.s32 s19, s18  }
0x11: {  	s19 =	simm.s32 $0x2800;
	s6 =	sshrl.u32 s6, $0x3;
	p4 =	por !p4, !p3  }
0x12: {  	s13 =	sshrl.u32 s24, $0x3;
	s18 =	sor.u32 $0x100, s25;
	s30 =	sor.u32 $0x180, s25  }
0x13: {  	s15 =	smax.u32 s15, $0x1;
	s24 =	simm.s32 $0x3;
	s25 =	simm.s32 $0x1  }
0x14: {  	s8 =	sadd.s32 s6, s2;
	s2 =	sadd.s32 $0x16E00, s2;
	s6 =	sadd.s32 s17, s6  }
0x15: {  	p4 =	por !p4, !p4;
	s26 =	sshrl.u32 s18, $0x3;
	s31 =	sshrl.u32 s30, $0x3  }
0x16: {  	s18 =	simm.s32 $0x5;
	s7 =	sadd.s32 $0xCE00, s8;
	s8 =	sadd.s32 $0x10, s6  }
0x17: {  	s13 =	sadd.s32 s2, s13;
	s2 =	sadd.s32 s2, s14;
	s16 =	sadd.s32 s26, s17  }
0x18: {  	s17 =	sadd.s32 s31, s17;
	s26 =	simm.s32 $0x4;
	s14 =	sadd.s32 $0x24900, s2  }
.LBB2_1:
0x19: {  	[tilespmem:s5], [sflag:$0x5] =	stream.linear.gather [hbm4b:s7+s5], $0x2800, $0x38;
	[tilespmem:$0x1E980] =	vst v63  }
0x1a: {  	_ =	swait.ge [sflag:s18], $0x2800  }
0x1b: {  	[sflag:s18] =	ssyncset.done $0x0  }
0x1c: {  	[sflag:s18] =	ssyncadd.s32 $0xFFFFD800  }
0x1d: {  	[tilespmem:s19], [sflag:$0x3] =	stream.linear.gather [hbm4b:s6+s5], $0x80, $0x38;
	[tilespmem:$0x1E980] =	vst v63  }
0x1e: {  	_ = 	snop  }
0x1f: {  	[tilespmem:s20], [sflag:$0x4] =	stream.linear.gather [hbm4b:s8+s5], $0x80, $0x38;
	[tilespmem:$0x1E980] =	vst v63  }
.Ltmp0:
0x20: {  	_ = 	snop;
	(pc) =	sbr.rel @!p1 .LBB2_4-.Ltmp0, $4  }
0x21: {  	_ = 	snop  }
0x22: {  	[tilespmem:s22], [sflag:$0x1] =	stream.indirect.gather [hbm4b:s1+s21], $0x80, s5, s21, $0xb8;
	[tilespmem:$0x1E980] =	vst v63  }
0x23: {  	_ = 	snop  }
0x24: {  	[tilespmem:s23], [sflag:$0x2] =	stream.indirect.gather [hbm4b:s1+s21], $0x80, s21, s21, $0xb8;
	[tilespmem:$0x1E980] =	vst v63  }
0x25: {  	s2 =	sshll.u32 s0, $0x6  }
.Ltmp1:
0x26: {  	s30 =	sshrl.u32 s10, $0x3;
	s2 =	sor.u32 $0x1C05, s2;
	(pc) =	sbr.rel .LBB2_3-.Ltmp1, $4  }
0x27: {  	[spmem:s30], [sflag:s2] =	dma.local [hbm:s11], $0x2700  }
0x28: {  	_ =	swait.ge [sflag:s18], $0x2700  }
0x29: {  	[sflag:s18] =	ssyncset.done $0x0  }
0x2a: {  	p5 =	por $0x0, $0x0;
	[sflag:s18] =	ssyncadd.s32 $0xFFFFD900  }
.LBB2_4:
.Ltmp2:
0x2b: {  	(pc) =	sbr.rel @!p2 .LBB2_3-.Ltmp2, $2  }
0x2c: {  	_ =	sdelay $0x2  }
0x2d: {  	p5 =	por p0, p0  }
.Ltmp3:
0x2e: {  	(pc) =	sbr.rel .LBB2_6-.Ltmp3, $2  }
0x2f: {  	_ =	sdelay $0x2  }
0x30: {  	p5 =	por $0x1, $0x1;
	s30 =	simm.s32 $0xF;
	s2 =	smov.u32 s1  }
.LBB2_3:
0x31: {  	s2 =	sshll.u32 @p4 s0, $0x6;
	p6 =	por @p4 $0x1, $0x1  }
0x32: {  	s30 =	sshrl.u32 @p4 s10, $0x3;
	s2 =	sor.u32 @p4 $0x1C05, s2;
	p6 =	por @!p4 p3, p3  }
0x33: {  	[spmem:s30], [sflag:s2] =	dma.local @p4 [hbm:s12], $0x2700  }
0x34: {  	p6 =	por !p6, !p5  }
0x35: {  	p6 =	por !p6, !p6  }
.Ltmp4:
0x36: {  	s2 =	simm.s32 @p4 $0x5;
	(pc) =	sbr.rel @!p6 .LBB2_7-.Ltmp4, $4  }
0x37: {  	_ =	swait.ge @p4 [sflag:s2], $0x2700  }
0x38: {  	[sflag:s2] =	ssyncset.done @p4 $0x0  }
0x39: {  	[sflag:s2] =	ssyncadd.s32 @p4 $0xFFFFD900  }
0x3a: {  	s30 =	stileid.u32;
	s2 =	rddreg [dreg:$0x2]  }
.LBB2_6:
0x3b: {  	s30 =	sshll.u32 s30, $0x6  }
0x3c: {  	s2 =	sadd.s32 $0x24900, s2;
	s31 =	sshrl.u32 s9, $0x3;
	s30 =	sor.u32 $0x1C05, s30  }
0x3d: {  	[spmem:s31], [sflag:s30] =	dma.local [hbm:s2], $0x2800  }
0x3e: {  	_ =	swait.ge [sflag:s18], $0x2800  }
0x3f: {  	[sflag:s18] =	ssyncset.done $0x0  }
0x40: {  	[sflag:s18] =	ssyncadd.s32 $0xFFFFD800  }
.LBB2_7:
0x41: {  	[bflag:$0x0] =	sbarrier.arrive $0xFFFF  }
0x42: {  	_ =	swait.ge [sflag:s24], $0x80  }
0x43: {  	[sflag:s24] =	ssyncset.done $0x0  }
0x44: {  	[sflag:s24] =	ssyncadd.s32 $0xFFFFFF80  }
0x45: {  	_ =	swait.ge [sflag:s25], $0x4000  }
0x46: {  	[sflag:s25] =	ssyncset.done $0x0  }
0x47: {  	[sflag:s25] =	ssyncadd.s32 $0xFFFFC000  }
0x48: {  	[spmem:s4] =	stream.indirect.scatter.add.f32 [tilespmem:s22], [sflag:$0x5], $0x80, s19, s21, $0xb8;
	[tilespmem:$0x1E980] =	vst v63  }
0x49: {  	_ =	swait.ge [sflag:s18], $0x4000  }
0x4a: {  	[sflag:s18] =	ssyncset.done $0x0  }
0x4b: {  	s2 =	sadd.s32 $0x0, s16;
	[sflag:s18] =	ssyncadd.s32 $0xFFFFC000  }
0x4c: {  	[tilespmem:s19], [sflag:$0x3] =	stream.linear.gather [hbm4b:s2+s5], $0x80, $0x38;
	[tilespmem:$0x1E980] =	vst v63  }
0x4d: {  	s3 =	simm.s32 $0x100  }
0x4e: {  	[tilespmem:s22], [sflag:$0x1] =	stream.indirect.gather [hbm4b:s1+s21], $0x80, s3, s21, $0xb8;
	[tilespmem:$0x1E980] =	vst v63  }
0x4f: {  	_ =	swait.ge [sflag:s26], $0x80  }
0x50: {  	[sflag:s26] =	ssyncset.done $0x0  }
0x51: {  	[sflag:s26] =	ssyncadd.s32 $0xFFFFFF80  }
0x52: {  	_ =	swait.ge [sflag:s28], $0x4000  }
0x53: {  	[sflag:s28] =	ssyncset.done $0x0  }
0x54: {  	[sflag:s28] =	ssyncadd.s32 $0xFFFFC000  }
0x55: {  	[spmem:s4] =	stream.indirect.scatter.add.f32 [tilespmem:s23], [sflag:$0x5], $0x80, s20, s21, $0xb8;
	[tilespmem:$0x1E980] =	vst v63  }
0x56: {  	_ =	swait.ge [sflag:s18], $0x4000  }
0x57: {  	s30 =	simm.s32 $0x20;
	s31 =	simm.s32 $0x200;
	[sflag:s18] =	ssyncset.done $0x0  }
0x58: {  	s2 =	simm.s32 $0x180;
	s3 =	sadd.s32 $0x0, s17;
	[sflag:s18] =	ssyncadd.s32 $0xFFFFC000  }
0x59: {  	[tilespmem:s20], [sflag:$0x4] =	stream.linear.gather [hbm4b:s3+s5], $0x80, $0x38;
	[tilespmem:$0x1E980] =	vst v63  }
.LBB2_8:
0x5a: {  	[tilespmem:s23], [sflag:$0x2] =	stream.indirect.gather [hbm4b:s1+s21], $0x80, s2, s21, $0xb8;
	[tilespmem:$0x1E980] =	vst v63  }
0x5b: {  	s2 =	smov.u32 s30  }
0x5c: {  	p6 =	sne.s32 s30, $0x4C0;
	s30 =	sadd.s32 $0x20, s30;
	_ =	swait.ge [sflag:s24], $0x80  }
0x5d: {  	[sflag:s24] =	ssyncset.done $0x0  }
0x5e: {  	[sflag:s24] =	ssyncadd.s32 $0xFFFFFF80  }
0x5f: {  	_ =	swait.ge [sflag:s25], $0x4000  }
0x60: {  	[sflag:s25] =	ssyncset.done $0x0  }
0x61: {  	[sflag:s25] =	ssyncadd.s32 $0xFFFFC000  }
0x62: {  	[spmem:s4] =	stream.indirect.scatter.add.f32 [tilespmem:s22], [sflag:$0x5], $0x80, s19, s21, $0xb8;
	[tilespmem:$0x1E980] =	vst v63  }
0x63: {  	_ =	swait.ge [sflag:s18], $0x4000  }
0x64: {  	[sflag:s18] =	ssyncset.done $0x0  }
0x65: {  	s3 =	sadd.s32 s2, s16;
	[sflag:s18] =	ssyncadd.s32 $0xFFFFC000  }
0x66: {  	[tilespmem:s19], [sflag:$0x3] =	stream.linear.gather [hbm4b:s3+s5], $0x80, $0x38;
	[tilespmem:$0x1E980] =	vst v63  }
0x67: {  	_ = 	snop  }
0x68: {  	[tilespmem:s22], [sflag:$0x1] =	stream.indirect.gather [hbm4b:s1+s21], $0x80, s31, s21, $0xb8;
	[tilespmem:$0x1E980] =	vst v63  }
0x69: {  	_ =	swait.ge [sflag:s26], $0x80  }
0x6a: {  	[sflag:s26] =	ssyncset.done $0x0  }
0x6b: {  	[sflag:s26] =	ssyncadd.s32 $0xFFFFFF80  }
0x6c: {  	_ =	swait.ge [sflag:s28], $0x4000  }
0x6d: {  	[sflag:s28] =	ssyncset.done $0x0  }
0x6e: {  	[sflag:s28] =	ssyncadd.s32 $0xFFFFC000  }
0x6f: {  	[spmem:s4] =	stream.indirect.scatter.add.f32 [tilespmem:s23], [sflag:$0x5], $0x80, s20, s21, $0xb8;
	[tilespmem:$0x1E980] =	vst v63  }
.Ltmp5:
0x70: {  	_ =	swait.ge [sflag:s18], $0x4000;
	(pc) =	sbr.rel @p6 .LBB2_8-.Ltmp5, $4  }
0x71: {  	[sflag:s18] =	ssyncset.done $0x0  }
0x72: {  	s2 =	sadd.s32 s2, s17;
	[sflag:s18] =	ssyncadd.s32 $0xFFFFC000  }
0x73: {  	[tilespmem:s20], [sflag:$0x4] =	stream.linear.gather [hbm4b:s2+s5], $0x80, $0x38;
	[tilespmem:$0x1E980] =	vst v63  }
0x74: {  	s2 =	sadd.s32 $0x80, s31;
	s31 =	sadd.s32 $0x100, s31  }
0x75: {  	[tilespmem:s23], [sflag:$0x2] =	stream.indirect.gather [hbm4b:s1+s21], $0x80, s2, s21, $0xb8;
	[tilespmem:$0x1E980] =	vst v63  }
0x76: {  	_ =	swait.ge [sflag:s24], $0x80  }
0x77: {  	[sflag:s24] =	ssyncset.done $0x0  }
0x78: {  	[sflag:s24] =	ssyncadd.s32 $0xFFFFFF80  }
0x79: {  	_ =	swait.ge [sflag:s25], $0x4000  }
0x7a: {  	[sflag:s25] =	ssyncset.done $0x0  }
0x7b: {  	[sflag:s25] =	ssyncadd.s32 $0xFFFFC000  }
0x7c: {  	[spmem:s4] =	stream.indirect.scatter.add.f32 [tilespmem:s22], [sflag:$0x5], $0x80, s19, s21, $0xb8;
	[tilespmem:$0x1E980] =	vst v63  }
0x7d: {  	_ =	swait.ge [sflag:s18], $0x4000  }
0x7e: {  	[sflag:s18] =	ssyncset.done $0x0  }
0x7f: {  	[sflag:s18] =	ssyncadd.s32 $0xFFFFC000  }
0x80: {  	_ =	swait.ge [sflag:s26], $0x80  }
0x81: {  	[sflag:s26] =	ssyncset.done $0x0  }
0x82: {  	[sflag:s26] =	ssyncadd.s32 $0xFFFFFF80  }
0x83: {  	_ =	swait.ge [sflag:s28], $0x4000  }
0x84: {  	[sflag:s28] =	ssyncset.done $0x0  }
0x85: {  	[sflag:s28] =	ssyncadd.s32 $0xFFFFC000  }
0x86: {  	[spmem:s4] =	stream.indirect.scatter.add.f32 [tilespmem:s23], [sflag:$0x5], $0x80, s20, s21, $0xb8;
	[tilespmem:$0x1E980] =	vst v63  }
0x87: {  	_ =	swait.ge [sflag:s18], $0x4000  }
0x88: {  	[sflag:s18] =	ssyncset.done $0x0  }
0x89: {  	s2 =	sshll.u32 @!p0 s0, $0x6;
	[sflag:s18] =	ssyncadd.s32 $0xFFFFC000  }
0x8a: {  	s3 =	sshrl.u32 @!p0 s10, $0x3;
	s2 =	sor.u32 @!p0 $0x1C05, s2;
	[bflag:$0x0] =	sbarrier.arrive $0xFFFF  }
0x8b: {  	[hbm:s13], [sflag:s2] =	dma.local @!p0 [spmem:s3], $0x2700  }
0x8c: {  	s2 =	simm.s32 @!p0 $0x5  }
0x8d: {  	s29 =	sadd.s32 $0x1, s29;
	_ =	swait.ge @!p0 [sflag:s2], $0x2700  }
0x8e: {  	p6 =	sne.s32 s29, s15;
	s3 =	sshll.u32 @p5 s0, $0x6;
	[sflag:s2] =	ssyncset.done @!p0 $0x0  }
0x8f: {  	[sflag:s2] =	ssyncadd.s32 @!p0 $0xFFFFD900;
	s2 =	sor.u32 @p5 $0x1C05, s3;
	s3 =	sshrl.u32 @p5 s9, $0x3  }
0x90: {  	[hbm:s14], [sflag:s2] =	dma.local @p5 [spmem:s3], $0x2800  }
.Ltmp6:
0x91: {  	_ = 	snop;
	(pc) =	sbr.rel @p6 .LBB2_1-.Ltmp6, $4  }
0x92: {  	s2 =	simm.s32 @p5 $0x5  }
0x93: {  	_ =	swait.ge @p5 [sflag:s2], $0x2800  }
0x94: {  	[sflag:s2] =	ssyncset.done @p5 $0x0  }
0x95: {  	[sflag:s2] =	ssyncadd.s32 @p5 $0xFFFFD800  }
0x96: {  	_ =	sfence.sel $0x180000  }
0x97: {  	[bflag:$0x0] =	sbarrier.arrive $0xFFFF  }
0x98: {  	_ =	strace $0x90000047  }
0x99: {  	[bflag:$0x2] =	sbarrier.arrive $0xFFFF  }
0x9a: {  	p0 =	sne.s32 s0, $0x0;
	s0 =	rddreg [dreg:$0x4]  }
0x9b: {  	s0 =	sadd.s32 @!p0 $0x100000, s0  }
0x9c: {  	[sflag:s0] =	ssyncadd.tile.s32 @!p0 $0x1;
	_ =	shalt  }
.Lfunc_end2:
_tile_overlayer_lowered:
.L_overlay_start_2:
0x9d: {  	(tag) =	ssettag $0x2  }
0x9e: {  	s0 =	rddreg [dreg:$0x0];
	s2 =	stileid.u32  }
0x9f: {  	s1 =	rddreg [dreg:$0x1];
	p0 =	sne.s32 s2, $0x0  }
0xa0: {  	s3 =	rddreg [dreg:$0x2];
	[bflag:$0x3] =	sbarrier.arrive $0xFFFF;
	s2 =	simm.s32 @!p0 $0x1C05  }
0xa1: {  	[timem:s3], [sflag:s2] =	dma.local @!p0 [hbm:s0], s1  }
0xa2: {  	s0 =	simm.s32 @!p0 $0x5  }
0xa3: {  	_ =	swait.ge @!p0 [sflag:s0], s1  }
0xa4: {  	s1 =	ssub.s32 @!p0 $0x0, s1;
	[sflag:s0] =	ssyncset.done @!p0 $0x0  }
0xa5: {  	[sflag:s0] =	ssyncadd.s32 @!p0 s1  }
0xa6: {  	[bflag:$0x3] =	sbarrier.arrive $0xFFFF  }
0xa7: {  	_ =	shalt  }

</sc_bundles>
